<compile_context>
chip_gen: v7x
topology: tpu7x:2x2x1
jax: 0.10.2.dev20260603
libtpu: 0.0.44.dev20260713+nightly
codegen_flags: <defaults>
</compile_context>

<pallas_src>
import functools

import jax
import jax.numpy as jnp
from jax import lax
from jax.experimental import pallas as pl
from jax.experimental.pallas import tpu as pltpu
from jax.experimental.pallas import tpu_sc as plsc


def _sc_gather(emb, idx_flat):
    n_idx = idx_flat.shape[0]
    e_dim = emb.shape[1]
    info = plsc.get_sparse_core_info()
    n_workers = info.num_cores * info.num_subcores
    per_w = n_idx // n_workers
    chunk = max(d for d in range(8, 129, 8) if per_w % d == 0)
    n_chunks = per_w // chunk

    mesh = plsc.VectorSubcoreMesh(core_axis_name="c", subcore_axis_name="s")

    @functools.partial(
        pl.kernel,
        mesh=mesh,
        out_type=jax.ShapeDtypeStruct((n_idx, e_dim), jnp.float32),
        scratch_types=[
            pltpu.VMEM((per_w,), jnp.int32),
            pltpu.VMEM((chunk, e_dim), jnp.float32),
            pltpu.VMEM((chunk, e_dim), jnp.float32),
            pltpu.SemaphoreType.DMA,
            pltpu.SemaphoreType.DMA,
        ],
    )
    def gather_kernel(emb_hbm, idx_hbm, out_hbm, idx_v, buf0, buf1, sem0, sem1):
        wid = lax.axis_index("s") * info.num_cores + lax.axis_index("c")
        base = wid * per_w
        pltpu.sync_copy(idx_hbm.at[pl.ds(base, per_w)], idx_v)
        bufs = (buf0, buf1)
        sems = (sem0, sem1)

        def start(ci):
            return pltpu.async_copy(
                emb_hbm.at[idx_v.at[pl.ds(ci * chunk, chunk)]],
                bufs[ci % 2],
                sems[ci % 2],
            )

        cps = [None] * n_chunks
        cps[0] = start(0)
        for ci in range(n_chunks):
            if ci + 1 < n_chunks:
                cps[ci + 1] = start(ci + 1)
            cps[ci].wait()
            pltpu.sync_copy(
                bufs[ci % 2], out_hbm.at[pl.ds(base + ci * chunk, chunk)]
            )

    return gather_kernel(emb, idx_flat)


def _lstm_seg(xe, h0, c0, w_x, w_h, b_gates, w_lin_t, b_lin, w_out_t, b_out,
              s_len, b_dim, h_dim, final):
    def body(xe_ref, xe0_ref, h0_ref, c0_ref, wx_ref, wh_ref, bg_ref,
             wlin_ref, blin_ref, wout_ref, bout_ref,
             *out_and_scratch):
        if final:
            out_ref, h_ref, c_ref, xp_ref = out_and_scratch
        else:
            ho_ref, co_ref, h_ref, c_ref, xp_ref = out_and_scratch
        t = pl.program_id(0)

        @pl.when(t == 0)
        def _init():
            h_ref[...] = h0_ref[...]
            c_ref[...] = c0_ref[...]
            xp_ref[...] = jnp.dot(
                xe0_ref[0].astype(jnp.bfloat16), wx_ref[...],
                preferred_element_type=jnp.float32)

        pre = (
            xp_ref[...]
            + jnp.dot(h_ref[...].astype(jnp.bfloat16), wh_ref[...],
                      preferred_element_type=jnp.float32)
            + bg_ref[0:1, :]
        )
        sg = jnp.tanh(pre[:, : 3 * h_dim])
        i_t = sg[:, 0 * h_dim:1 * h_dim]
        f_t = sg[:, 1 * h_dim:2 * h_dim]
        o_t = sg[:, 2 * h_dim:3 * h_dim]
        g_t = jnp.tanh(pre[:, 3 * h_dim:])
        c_old = c_ref[...]
        c_new = 0.5 * (f_t * c_old + c_old + i_t * g_t + g_t)
        h_new = (0.5 * (o_t + 1.0)) * jnp.tanh(c_new)
        c_ref[...] = c_new
        h_ref[...] = h_new

        xp_ref[...] = jnp.dot(
            xe_ref[0].astype(jnp.bfloat16), wx_ref[...],
            preferred_element_type=jnp.float32)

        @pl.when(t == s_len - 1)
        def _emit():
            if final:
                feat = (
                    jnp.dot(h_new, wlin_ref[...],
                            preferred_element_type=jnp.float32)
                    + blin_ref[0:1, :]
                )
                out_ref[...] = (
                    jnp.dot(feat, wout_ref[...],
                            preferred_element_type=jnp.float32)
                    + bout_ref[0:1, :]
                )
            else:
                ho_ref[...] = h_new
                co_ref[...] = c_new

    e_dim = xe.shape[2]
    nxt = lambda t: (jnp.minimum(t + 1, s_len - 1), 0, 0)
    if final:
        out_shape = jax.ShapeDtypeStruct((b_dim, 128), jnp.float32)
        out_specs = pl.BlockSpec((b_dim, 128), lambda t: (0, 0))
    else:
        out_shape = (
            jax.ShapeDtypeStruct((b_dim, h_dim), jnp.float32),
            jax.ShapeDtypeStruct((b_dim, h_dim), jnp.float32),
        )
        out_specs = (
            pl.BlockSpec((b_dim, h_dim), lambda t: (0, 0)),
            pl.BlockSpec((b_dim, h_dim), lambda t: (0, 0)),
        )
    return pl.pallas_call(
        body,
        grid=(s_len,),
        in_specs=[
            pl.BlockSpec((1, b_dim, e_dim), nxt),
            pl.BlockSpec((1, b_dim, e_dim), lambda t: (0, 0, 0)),
            pl.BlockSpec((b_dim, h_dim), lambda t: (0, 0)),
            pl.BlockSpec((b_dim, h_dim), lambda t: (0, 0)),
            pl.BlockSpec(w_x.shape, lambda t: (0, 0)),
            pl.BlockSpec(w_h.shape, lambda t: (0, 0)),
            pl.BlockSpec(b_gates.shape, lambda t: (0, 0)),
            pl.BlockSpec(w_lin_t.shape, lambda t: (0, 0)),
            pl.BlockSpec(b_lin.shape, lambda t: (0, 0)),
            pl.BlockSpec(w_out_t.shape, lambda t: (0, 0)),
            pl.BlockSpec(b_out.shape, lambda t: (0, 0)),
        ],
        out_specs=out_specs,
        out_shape=out_shape,
        scratch_shapes=[
            pltpu.VMEM((b_dim, h_dim), jnp.float32),
            pltpu.VMEM((b_dim, h_dim), jnp.float32),
            pltpu.VMEM((b_dim, 4 * h_dim), jnp.float32),
        ],
    )(xe, xe[:1], h0, c0, w_x, w_h, b_gates, w_lin_t, b_lin, w_out_t, b_out)


def _pack_gates(w, h_dim, scale_axis):
    i, f, g, o = jnp.split(w, 4, axis=scale_axis)
    return jnp.concatenate([0.5 * i, 0.5 * f, 0.5 * o, g], axis=scale_axis)


def kernel(x, emb, W_ih, W_hh, b_ih, b_hh, W_lin, b_lin, W_out, b_out):
    s_len, b_dim = x.shape
    h_dim = W_hh.shape[1]
    e_dim = emb.shape[1]
    c_dim = W_out.shape[0]

    w_x = _pack_gates(W_ih.T, h_dim, 1).astype(jnp.bfloat16)
    w_h = _pack_gates(W_hh.T, h_dim, 1).astype(jnp.bfloat16)
    b_g = _pack_gates(b_ih + b_hh, h_dim, 0)
    b_gates = jnp.broadcast_to(b_g[None, :], (8, 4 * h_dim))
    w_lin_t = W_lin.T
    b_lin_b = jnp.broadcast_to(b_lin[None, :], (8, h_dim))
    w_out_t = jnp.zeros((h_dim, 128), jnp.float32).at[:, :c_dim].set(W_out.T)
    b_out_b = jnp.broadcast_to(
        jnp.zeros((128,), jnp.float32).at[:c_dim].set(b_out)[None, :], (8, 128)
    )

    if s_len % 2 == 0:
        segs = [s_len // 2, s_len // 2]
    else:
        segs = [s_len]

    idx = x.astype(jnp.int32)
    xes = []
    off = 0
    for n in segs:
        xes.append(
            _sc_gather(emb, idx[off:off + n].reshape(-1)).reshape(
                n, b_dim, e_dim))
        off += n

    h = jnp.zeros((b_dim, h_dim), jnp.float32)
    c = jnp.zeros((b_dim, h_dim), jnp.float32)
    for k, n in enumerate(segs[:-1]):
        h, c = _lstm_seg(xes[k], h, c, w_x, w_h, b_gates, w_lin_t, b_lin_b,
                         w_out_t, b_out_b, n, b_dim, h_dim, final=False)
    out_pad = _lstm_seg(xes[-1], h, c, w_x, w_h, b_gates, w_lin_t, b_lin_b,
                        w_out_t, b_out_b, segs[-1], b_dim, h_dim, final=True)
    return out_pad[:, :c_dim]

# --- scband reference (transcript-rebuilt; emitter-appended) ---
"""Pipeline reference for scband-model-69114613728781 (READ-ONLY COPY).

The authoritative reference and input builder live on the scoring server;
editing this copy changes nothing except your own understanding.
"""

import jax, jax.numpy as jnp
import numpy as np

VOCAB = 100000
PAD_IDX = 1
E = 128
H = 256
S = 50
B = 1024
C = 6


def setup_inputs(seed: int = 0) -> dict:
    key = jax.random.key(seed)
    ks = jax.random.split(key, 11)
    x = jax.random.randint(ks[0], (S, B), 0, VOCAB)
    emb = jax.random.normal(ks[1], (VOCAB, E), dtype=jnp.float32) * 0.02
    emb = emb.at[PAD_IDX].set(0.0)  # padding_idx row zeroed, as nn.Embedding does
    s = 1.0 / np.sqrt(H)
    W_ih = jax.random.uniform(ks[2], (4 * H, E), minval=-s, maxval=s, dtype=jnp.float32)
    W_hh = jax.random.uniform(ks[3], (4 * H, H), minval=-s, maxval=s, dtype=jnp.float32)
    b_ih = jax.random.uniform(ks[4], (4 * H,), minval=-s, maxval=s, dtype=jnp.float32)
    b_hh = jax.random.uniform(ks[5], (4 * H,), minval=-s, maxval=s, dtype=jnp.float32)
    sl = 1.0 / np.sqrt(H)
    W_lin = jax.random.uniform(ks[6], (H, H), minval=-sl, maxval=sl, dtype=jnp.float32)
    b_lin = jax.random.uniform(ks[7], (H,), minval=-sl, maxval=sl, dtype=jnp.float32)
    W_out = jax.random.uniform(ks[8], (C, H), minval=-sl, maxval=sl, dtype=jnp.float32)
    b_out = jax.random.uniform(ks[9], (C,), minval=-sl, maxval=sl, dtype=jnp.float32)
    return {"x": x, "emb": emb, "W_ih": W_ih, "W_hh": W_hh, "b_ih": b_ih, "b_hh": b_hh,
            "W_lin": W_lin, "b_lin": b_lin, "W_out": W_out, "b_out": b_out}


def _lstm(xemb, W_ih, W_hh, b_ih, b_hh):
    # xemb: [S, B, E]; PyTorch gate order: i, f, g, o
    Hdim = W_hh.shape[1]
    Bdim = xemb.shape[1]
    h0 = jnp.zeros((Bdim, Hdim), dtype=xemb.dtype)
    c0 = jnp.zeros((Bdim, Hdim), dtype=xemb.dtype)

    def step(carry, xt):
        h, c = carry
        gates = xt @ W_ih.T + b_ih + h @ W_hh.T + b_hh
        i, f, g, o = jnp.split(gates, 4, axis=-1)
        i = jax.nn.sigmoid(i)
        f = jax.nn.sigmoid(f)
        g = jnp.tanh(g)
        o = jax.nn.sigmoid(o)
        c_new = f * c + i * g
        h_new = o * jnp.tanh(c_new)
        return (h_new, c_new), h_new

    (_, _), hs = jax.lax.scan(step, (h0, c0), xemb)
    return hs  # [S, B, H]


def reference(x, emb, W_ih, W_hh, b_ih, b_hh, W_lin, b_lin, W_out, b_out):
    # embedding lookup (gather)
    xe = jnp.take(emb, x, axis=0)  # [S, B, E]
    hs = _lstm(xe, W_ih, W_hh, b_ih, b_hh)  # [S, B, H]
    feature = hs[-1, :, :]  # [B, H]
    # num_liner=2 -> one hidden Linear (no activation, matching the torch code)
    feature = feature @ W_lin.T + b_lin
    out = feature @ W_out.T + b_out  # [B, C]
    return out

if __name__ == "__main__":
    import jax
    _d = setup_inputs()
    print(jax.jit(kernel)(*tuple(_d.values())))

</pallas_src>

<mosaic_0001>
#map = affine_map<(d0, d1) -> (0, 0)>
#map1 = affine_map<(d0, d1) -> (0)>
module attributes {stable_mosaic.version = 14 : i64} {
  func.func @gather_kernel(%arg0: i32, %arg1: i32, %arg2: memref<100000x128xf32, #tpu.memory_space<hbm>>, %arg3: memref<25600xi32, #tpu.memory_space<hbm>>, %arg4: memref<25600x128xf32, #tpu.memory_space<hbm>>, %arg5: memref<800xi32, #tpu.memory_space<vmem>>, %arg6: memref<80x128xf32, #tpu.memory_space<vmem>>, %arg7: memref<80x128xf32, #tpu.memory_space<vmem>>, %arg8: memref<!tpu.dma_semaphore, #tpu.memory_space<semaphore_mem>>, %arg9: memref<!tpu.dma_semaphore, #tpu.memory_space<semaphore_mem>>) attributes {dimension_semantics = [#tpu.dimension_semantics<core_parallel>, #tpu.dimension_semantics<subcore_parallel>], iteration_bounds = array<i64: 2, 16>, scalar_prefetch = 0 : i64, scratch_operands = 5 : i64, tpu.core_type = #tpu.core_type<sc_vector_subcore>, window_params = [{transform_indices = #map}, {transform_indices = #map1}, {transform_indices = #map}]} {
    %mul3A = arith.constant 2 : i32
    %mul3A_0 = arith.muli %arg1, %mul3A : i32
    %add3A = arith.addi %mul3A_0, %arg0 : i32
    %mul3A_1 = arith.constant 800 : i32
    %mul3A_2 = arith.muli %add3A, %mul3A_1 : i32
    "tpu.region"() ({
      %run_scoped3A = tpu.sem_alloc : memref<!tpu.dma_semaphore, #tpu.memory_space<semaphore_mem>>
      %dma_start3A_121 = tpu.memref_slice %arg3[%mul3A_2] : memref<25600xi32, #tpu.memory_space<hbm>> -> memref<800xi32, #tpu.memory_space<hbm>>
      %dma_start3A_122 = tpu.memref_slice %arg3[%mul3A_2] : memref<25600xi32, #tpu.memory_space<hbm>> -> memref<800xi32, #tpu.memory_space<hbm>>
      tpu.enqueue_dma source(%dma_start3A_122 : memref<800xi32, #tpu.memory_space<hbm>>) target(%arg5 : memref<800xi32, #tpu.memory_space<vmem>>) target_semaphore(%run_scoped3A : memref<!tpu.dma_semaphore, #tpu.memory_space<semaphore_mem>>)
      %dma_wait3A_123 = tpu.memref_slice %arg3[%mul3A_2] : memref<25600xi32, #tpu.memory_space<hbm>> -> memref<800xi32, #tpu.memory_space<hbm>>
      %dma_wait3A_124 = tpu.memref_slice %arg3[%mul3A_2] : memref<25600xi32, #tpu.memory_space<hbm>> -> memref<800xi32, #tpu.memory_space<hbm>>
      tpu.wait_dma2 semaphore(%run_scoped3A : memref<!tpu.dma_semaphore, #tpu.memory_space<semaphore_mem>>) src(%dma_wait3A_124 : memref<800xi32, #tpu.memory_space<hbm>>) dst(%arg5 : memref<800xi32, #tpu.memory_space<vmem>>)
      tpu.yield
    }) : () -> ()
    %dma_start3A = arith.constant 0 : i32
    %dma_start3A_3 = tpu.memref_slice %arg5[%dma_start3A] : memref<800xi32, #tpu.memory_space<vmem>> -> memref<80xi32, #tpu.memory_space<vmem>>
    %dma_start3A_4 = arith.constant 0 : i32
    %dma_start3A_5 = arith.constant 0 : i32
    %dma_start3A_6 = tpu.memref_slice %arg2[%dma_start3A_4, %dma_start3A_5] : memref<100000x128xf32, #tpu.memory_space<hbm>> -> memref<100000x128xf32, #tpu.memory_space<hbm>>
    tpu.enqueue_indirect_dma source(%dma_start3A_6 : memref<100000x128xf32, #tpu.memory_space<hbm>>) target(%arg6 : memref<80x128xf32, #tpu.memory_space<vmem>>) offsets(%dma_start3A_3 : memref<80xi32, #tpu.memory_space<vmem>>) semaphore(%arg8 : memref<!tpu.dma_semaphore, #tpu.memory_space<semaphore_mem>>)
    %dma_start3A_7 = arith.constant 80 : i32
    %dma_start3A_8 = tpu.memref_slice %arg5[%dma_start3A_7] : memref<800xi32, #tpu.memory_space<vmem>> -> memref<80xi32, #tpu.memory_space<vmem>>
    %dma_start3A_9 = arith.constant 0 : i32
    %dma_start3A_10 = arith.constant 0 : i32
    %dma_start3A_11 = tpu.memref_slice %arg2[%dma_start3A_9, %dma_start3A_10] : memref<100000x128xf32, #tpu.memory_space<hbm>> -> memref<100000x128xf32, #tpu.memory_space<hbm>>
    tpu.enqueue_indirect_dma source(%dma_start3A_11 : memref<100000x128xf32, #tpu.memory_space<hbm>>) target(%arg7 : memref<80x128xf32, #tpu.memory_space<vmem>>) offsets(%dma_start3A_8 : memref<80xi32, #tpu.memory_space<vmem>>) semaphore(%arg9 : memref<!tpu.dma_semaphore, #tpu.memory_space<semaphore_mem>>)
    %dma_wait3A = arith.constant 0 : i32
    %dma_wait3A_12 = tpu.memref_slice %arg5[%dma_wait3A] : memref<800xi32, #tpu.memory_space<vmem>> -> memref<80xi32, #tpu.memory_space<vmem>>
    %dma_wait3A_13 = arith.constant 0 : i32
    %dma_wait3A_14 = arith.constant 0 : i32
    %dma_wait3A_15 = tpu.memref_slice %arg2[%dma_wait3A_13, %dma_wait3A_14] : memref<100000x128xf32, #tpu.memory_space<hbm>> -> memref<100000x128xf32, #tpu.memory_space<hbm>>
    tpu.wait_indirect_dma semaphore(%arg8 : memref<!tpu.dma_semaphore, #tpu.memory_space<semaphore_mem>>) src(%dma_wait3A_15 : memref<100000x128xf32, #tpu.memory_space<hbm>>) dst(%arg6 : memref<80x128xf32, #tpu.memory_space<vmem>>)
    %add3A_16 = arith.constant 0 : i32
    %add3A_17 = arith.addi %mul3A_2, %add3A_16 : i32
    "tpu.region"() ({
      %run_scoped3A = tpu.sem_alloc : memref<!tpu.dma_semaphore, #tpu.memory_space<semaphore_mem>>
      %dma_start3A_121 = arith.constant 0 : i32
      %dma_start3A_122 = tpu.memref_slice %arg4[%add3A_17, %dma_start3A_121] : memref<25600x128xf32, #tpu.memory_space<hbm>> -> memref<80x128xf32, #tpu.memory_space<hbm>>
      %dma_start3A_123 = arith.constant 0 : i32
      %dma_start3A_124 = tpu.memref_slice %arg4[%add3A_17, %dma_start3A_123] : memref<25600x128xf32, #tpu.memory_space<hbm>> -> memref<80x128xf32, #tpu.memory_space<hbm>>
      tpu.enqueue_dma source(%arg6 : memref<80x128xf32, #tpu.memory_space<vmem>>) target(%dma_start3A_124 : memref<80x128xf32, #tpu.memory_space<hbm>>) target_semaphore(%run_scoped3A : memref<!tpu.dma_semaphore, #tpu.memory_space<semaphore_mem>>)
      %dma_wait3A_125 = arith.constant 0 : i32
      %dma_wait3A_126 = tpu.memref_slice %arg4[%add3A_17, %dma_wait3A_125] : memref<25600x128xf32, #tpu.memory_space<hbm>> -> memref<80x128xf32, #tpu.memory_space<hbm>>
      %dma_wait3A_127 = arith.constant 0 : i32
      %dma_wait3A_128 = tpu.memref_slice %arg4[%add3A_17, %dma_wait3A_127] : memref<25600x128xf32, #tpu.memory_space<hbm>> -> memref<80x128xf32, #tpu.memory_space<hbm>>
      tpu.wait_dma2 semaphore(%run_scoped3A : memref<!tpu.dma_semaphore, #tpu.memory_space<semaphore_mem>>) src(%arg6 : memref<80x128xf32, #tpu.memory_space<vmem>>) dst(%dma_wait3A_128 : memref<80x128xf32, #tpu.memory_space<hbm>>)
      tpu.yield
    }) : () -> ()
    %dma_start3A_18 = arith.constant 160 : i32
    %dma_start3A_19 = tpu.memref_slice %arg5[%dma_start3A_18] : memref<800xi32, #tpu.memory_space<vmem>> -> memref<80xi32, #tpu.memory_space<vmem>>
    %dma_start3A_20 = arith.constant 0 : i32
    %dma_start3A_21 = arith.constant 0 : i32
    %dma_start3A_22 = tpu.memref_slice %arg2[%dma_start3A_20, %dma_start3A_21] : memref<100000x128xf32, #tpu.memory_space<hbm>> -> memref<100000x128xf32, #tpu.memory_space<hbm>>
    tpu.enqueue_indirect_dma source(%dma_start3A_22 : memref<100000x128xf32, #tpu.memory_space<hbm>>) target(%arg6 : memref<80x128xf32, #tpu.memory_space<vmem>>) offsets(%dma_start3A_19 : memref<80xi32, #tpu.memory_space<vmem>>) semaphore(%arg8 : memref<!tpu.dma_semaphore, #tpu.memory_space<semaphore_mem>>)
    %dma_wait3A_23 = arith.constant 80 : i32
    %dma_wait3A_24 = tpu.memref_slice %arg5[%dma_wait3A_23] : memref<800xi32, #tpu.memory_space<vmem>> -> memref<80xi32, #tpu.memory_space<vmem>>
    %dma_wait3A_25 = arith.constant 0 : i32
    %dma_wait3A_26 = arith.constant 0 : i32
    %dma_wait3A_27 = tpu.memref_slice %arg2[%dma_wait3A_25, %dma_wait3A_26] : memref<100000x128xf32, #tpu.memory_space<hbm>> -> memref<100000x128xf32, #tpu.memory_space<hbm>>
    tpu.wait_indirect_dma semaphore(%arg9 : memref<!tpu.dma_semaphore, #tpu.memory_space<semaphore_mem>>) src(%dma_wait3A_27 : memref<100000x128xf32, #tpu.memory_space<hbm>>) dst(%arg7 : memref<80x128xf32, #tpu.memory_space<vmem>>)
    %add3A_28 = arith.constant 80 : i32
    %add3A_29 = arith.addi %mul3A_2, %add3A_28 : i32
    "tpu.region"() ({
      %run_scoped3A = tpu.sem_alloc : memref<!tpu.dma_semaphore, #tpu.memory_space<semaphore_mem>>
      %dma_start3A_121 = arith.constant 0 : i32
      %dma_start3A_122 = tpu.memref_slice %arg4[%add3A_29, %dma_start3A_121] : memref<25600x128xf32, #tpu.memory_space<hbm>> -> memref<80x128xf32, #tpu.memory_space<hbm>>
      %dma_start3A_123 = arith.constant 0 : i32
      %dma_start3A_124 = tpu.memref_slice %arg4[%add3A_29, %dma_start3A_123] : memref<25600x128xf32, #tpu.memory_space<hbm>> -> memref<80x128xf32, #tpu.memory_space<hbm>>
      tpu.enqueue_dma source(%arg7 : memref<80x128xf32, #tpu.memory_space<vmem>>) target(%dma_start3A_124 : memref<80x128xf32, #tpu.memory_space<hbm>>) target_semaphore(%run_scoped3A : memref<!tpu.dma_semaphore, #tpu.memory_space<semaphore_mem>>)
      %dma_wait3A_125 = arith.constant 0 : i32
      %dma_wait3A_126 = tpu.memref_slice %arg4[%add3A_29, %dma_wait3A_125] : memref<25600x128xf32, #tpu.memory_space<hbm>> -> memref<80x128xf32, #tpu.memory_space<hbm>>
      %dma_wait3A_127 = arith.constant 0 : i32
      %dma_wait3A_128 = tpu.memref_slice %arg4[%add3A_29, %dma_wait3A_127] : memref<25600x128xf32, #tpu.memory_space<hbm>> -> memref<80x128xf32, #tpu.memory_space<hbm>>
      tpu.wait_dma2 semaphore(%run_scoped3A : memref<!tpu.dma_semaphore, #tpu.memory_space<semaphore_mem>>) src(%arg7 : memref<80x128xf32, #tpu.memory_space<vmem>>) dst(%dma_wait3A_128 : memref<80x128xf32, #tpu.memory_space<hbm>>)
      tpu.yield
    }) : () -> ()
    %dma_start3A_30 = arith.constant 240 : i32
    %dma_start3A_31 = tpu.memref_slice %arg5[%dma_start3A_30] : memref<800xi32, #tpu.memory_space<vmem>> -> memref<80xi32, #tpu.memory_space<vmem>>
    %dma_start3A_32 = arith.constant 0 : i32
    %dma_start3A_33 = arith.constant 0 : i32
    %dma_start3A_34 = tpu.memref_slice %arg2[%dma_start3A_32, %dma_start3A_33] : memref<100000x128xf32, #tpu.memory_space<hbm>> -> memref<100000x128xf32, #tpu.memory_space<hbm>>
    tpu.enqueue_indirect_dma source(%dma_start3A_34 : memref<100000x128xf32, #tpu.memory_space<hbm>>) target(%arg7 : memref<80x128xf32, #tpu.memory_space<vmem>>) offsets(%dma_start3A_31 : memref<80xi32, #tpu.memory_space<vmem>>) semaphore(%arg9 : memref<!tpu.dma_semaphore, #tpu.memory_space<semaphore_mem>>)
    %dma_wait3A_35 = arith.constant 160 : i32
    %dma_wait3A_36 = tpu.memref_slice %arg5[%dma_wait3A_35] : memref<800xi32, #tpu.memory_space<vmem>> -> memref<80xi32, #tpu.memory_space<vmem>>
    %dma_wait3A_37 = arith.constant 0 : i32
    %dma_wait3A_38 = arith.constant 0 : i32
    %dma_wait3A_39 = tpu.memref_slice %arg2[%dma_wait3A_37, %dma_wait3A_38] : memref<100000x128xf32, #tpu.memory_space<hbm>> -> memref<100000x128xf32, #tpu.memory_space<hbm>>
    tpu.wait_indirect_dma semaphore(%arg8 : memref<!tpu.dma_semaphore, #tpu.memory_space<semaphore_mem>>) src(%dma_wait3A_39 : memref<100000x128xf32, #tpu.memory_space<hbm>>) dst(%arg6 : memref<80x128xf32, #tpu.memory_space<vmem>>)
    %add3A_40 = arith.constant 160 : i32
    %add3A_41 = arith.addi %mul3A_2, %add3A_40 : i32
    "tpu.region"() ({
      %run_scoped3A = tpu.sem_alloc : memref<!tpu.dma_semaphore, #tpu.memory_space<semaphore_mem>>
      %dma_start3A_121 = arith.constant 0 : i32
      %dma_start3A_122 = tpu.memref_slice %arg4[%add3A_41, %dma_start3A_121] : memref<25600x128xf32, #tpu.memory_space<hbm>> -> memref<80x128xf32, #tpu.memory_space<hbm>>
      %dma_start3A_123 = arith.constant 0 : i32
      %dma_start3A_124 = tpu.memref_slice %arg4[%add3A_41, %dma_start3A_123] : memref<25600x128xf32, #tpu.memory_space<hbm>> -> memref<80x128xf32, #tpu.memory_space<hbm>>
      tpu.enqueue_dma source(%arg6 : memref<80x128xf32, #tpu.memory_space<vmem>>) target(%dma_start3A_124 : memref<80x128xf32, #tpu.memory_space<hbm>>) target_semaphore(%run_scoped3A : memref<!tpu.dma_semaphore, #tpu.memory_space<semaphore_mem>>)
      %dma_wait3A_125 = arith.constant 0 : i32
      %dma_wait3A_126 = tpu.memref_slice %arg4[%add3A_41, %dma_wait3A_125] : memref<25600x128xf32, #tpu.memory_space<hbm>> -> memref<80x128xf32, #tpu.memory_space<hbm>>
      %dma_wait3A_127 = arith.constant 0 : i32
      %dma_wait3A_128 = tpu.memref_slice %arg4[%add3A_41, %dma_wait3A_127] : memref<25600x128xf32, #tpu.memory_space<hbm>> -> memref<80x128xf32, #tpu.memory_space<hbm>>
      tpu.wait_dma2 semaphore(%run_scoped3A : memref<!tpu.dma_semaphore, #tpu.memory_space<semaphore_mem>>) src(%arg6 : memref<80x128xf32, #tpu.memory_space<vmem>>) dst(%dma_wait3A_128 : memref<80x128xf32, #tpu.memory_space<hbm>>)
      tpu.yield
    }) : () -> ()
    %dma_start3A_42 = arith.constant 320 : i32
    %dma_start3A_43 = tpu.memref_slice %arg5[%dma_start3A_42] : memref<800xi32, #tpu.memory_space<vmem>> -> memref<80xi32, #tpu.memory_space<vmem>>
    %dma_start3A_44 = arith.constant 0 : i32
    %dma_start3A_45 = arith.constant 0 : i32
    %dma_start3A_46 = tpu.memref_slice %arg2[%dma_start3A_44, %dma_start3A_45] : memref<100000x128xf32, #tpu.memory_space<hbm>> -> memref<100000x128xf32, #tpu.memory_space<hbm>>
    tpu.enqueue_indirect_dma source(%dma_start3A_46 : memref<100000x128xf32, #tpu.memory_space<hbm>>) target(%arg6 : memref<80x128xf32, #tpu.memory_space<vmem>>) offsets(%dma_start3A_43 : memref<80xi32, #tpu.memory_space<vmem>>) semaphore(%arg8 : memref<!tpu.dma_semaphore, #tpu.memory_space<semaphore_mem>>)
    %dma_wait3A_47 = arith.constant 240 : i32
    %dma_wait3A_48 = tpu.memref_slice %arg5[%dma_wait3A_47] : memref<800xi32, #tpu.memory_space<vmem>> -> memref<80xi32, #tpu.memory_space<vmem>>
    %dma_wait3A_49 = arith.constant 0 : i32
    %dma_wait3A_50 = arith.constant 0 : i32
    %dma_wait3A_51 = tpu.memref_slice %arg2[%dma_wait3A_49, %dma_wait3A_50] : memref<100000x128xf32, #tpu.memory_space<hbm>> -> memref<100000x128xf32, #tpu.memory_space<hbm>>
    tpu.wait_indirect_dma semaphore(%arg9 : memref<!tpu.dma_semaphore, #tpu.memory_space<semaphore_mem>>) src(%dma_wait3A_51 : memref<100000x128xf32, #tpu.memory_space<hbm>>) dst(%arg7 : memref<80x128xf32, #tpu.memory_space<vmem>>)
    %add3A_52 = arith.constant 240 : i32
    %add3A_53 = arith.addi %mul3A_2, %add3A_52 : i32
    "tpu.region"() ({
      %run_scoped3A = tpu.sem_alloc : memref<!tpu.dma_semaphore, #tpu.memory_space<semaphore_mem>>
      %dma_start3A_121 = arith.constant 0 : i32
      %dma_start3A_122 = tpu.memref_slice %arg4[%add3A_53, %dma_start3A_121] : memref<25600x128xf32, #tpu.memory_space<hbm>> -> memref<80x128xf32, #tpu.memory_space<hbm>>
      %dma_start3A_123 = arith.constant 0 : i32
      %dma_start3A_124 = tpu.memref_slice %arg4[%add3A_53, %dma_start3A_123] : memref<25600x128xf32, #tpu.memory_space<hbm>> -> memref<80x128xf32, #tpu.memory_space<hbm>>
      tpu.enqueue_dma source(%arg7 : memref<80x128xf32, #tpu.memory_space<vmem>>) target(%dma_start3A_124 : memref<80x128xf32, #tpu.memory_space<hbm>>) target_semaphore(%run_scoped3A : memref<!tpu.dma_semaphore, #tpu.memory_space<semaphore_mem>>)
      %dma_wait3A_125 = arith.constant 0 : i32
      %dma_wait3A_126 = tpu.memref_slice %arg4[%add3A_53, %dma_wait3A_125] : memref<25600x128xf32, #tpu.memory_space<hbm>> -> memref<80x128xf32, #tpu.memory_space<hbm>>
      %dma_wait3A_127 = arith.constant 0 : i32
      %dma_wait3A_128 = tpu.memref_slice %arg4[%add3A_53, %dma_wait3A_127] : memref<25600x128xf32, #tpu.memory_space<hbm>> -> memref<80x128xf32, #tpu.memory_space<hbm>>
      tpu.wait_dma2 semaphore(%run_scoped3A : memref<!tpu.dma_semaphore, #tpu.memory_space<semaphore_mem>>) src(%arg7 : memref<80x128xf32, #tpu.memory_space<vmem>>) dst(%dma_wait3A_128 : memref<80x128xf32, #tpu.memory_space<hbm>>)
      tpu.yield
    }) : () -> ()
    %dma_start3A_54 = arith.constant 400 : i32
    %dma_start3A_55 = tpu.memref_slice %arg5[%dma_start3A_54] : memref<800xi32, #tpu.memory_space<vmem>> -> memref<80xi32, #tpu.memory_space<vmem>>
    %dma_start3A_56 = arith.constant 0 : i32
    %dma_start3A_57 = arith.constant 0 : i32
    %dma_start3A_58 = tpu.memref_slice %arg2[%dma_start3A_56, %dma_start3A_57] : memref<100000x128xf32, #tpu.memory_space<hbm>> -> memref<100000x128xf32, #tpu.memory_space<hbm>>
    tpu.enqueue_indirect_dma source(%dma_start3A_58 : memref<100000x128xf32, #tpu.memory_space<hbm>>) target(%arg7 : memref<80x128xf32, #tpu.memory_space<vmem>>) offsets(%dma_start3A_55 : memref<80xi32, #tpu.memory_space<vmem>>) semaphore(%arg9 : memref<!tpu.dma_semaphore, #tpu.memory_space<semaphore_mem>>)
    %dma_wait3A_59 = arith.constant 320 : i32
    %dma_wait3A_60 = tpu.memref_slice %arg5[%dma_wait3A_59] : memref<800xi32, #tpu.memory_space<vmem>> -> memref<80xi32, #tpu.memory_space<vmem>>
    %dma_wait3A_61 = arith.constant 0 : i32
    %dma_wait3A_62 = arith.constant 0 : i32
    %dma_wait3A_63 = tpu.memref_slice %arg2[%dma_wait3A_61, %dma_wait3A_62] : memref<100000x128xf32, #tpu.memory_space<hbm>> -> memref<100000x128xf32, #tpu.memory_space<hbm>>
    tpu.wait_indirect_dma semaphore(%arg8 : memref<!tpu.dma_semaphore, #tpu.memory_space<semaphore_mem>>) src(%dma_wait3A_63 : memref<100000x128xf32, #tpu.memory_space<hbm>>) dst(%arg6 : memref<80x128xf32, #tpu.memory_space<vmem>>)
    %add3A_64 = arith.constant 320 : i32
    %add3A_65 = arith.addi %mul3A_2, %add3A_64 : i32
    "tpu.region"() ({
      %run_scoped3A = tpu.sem_alloc : memref<!tpu.dma_semaphore, #tpu.memory_space<semaphore_mem>>
      %dma_start3A_121 = arith.constant 0 : i32
      %dma_start3A_122 = tpu.memref_slice %arg4[%add3A_65, %dma_start3A_121] : memref<25600x128xf32, #tpu.memory_space<hbm>> -> memref<80x128xf32, #tpu.memory_space<hbm>>
      %dma_start3A_123 = arith.constant 0 : i32
      %dma_start3A_124 = tpu.memref_slice %arg4[%add3A_65, %dma_start3A_123] : memref<25600x128xf32, #tpu.memory_space<hbm>> -> memref<80x128xf32, #tpu.memory_space<hbm>>
      tpu.enqueue_dma source(%arg6 : memref<80x128xf32, #tpu.memory_space<vmem>>) target(%dma_start3A_124 : memref<80x128xf32, #tpu.memory_space<hbm>>) target_semaphore(%run_scoped3A : memref<!tpu.dma_semaphore, #tpu.memory_space<semaphore_mem>>)
      %dma_wait3A_125 = arith.constant 0 : i32
      %dma_wait3A_126 = tpu.memref_slice %arg4[%add3A_65, %dma_wait3A_125] : memref<25600x128xf32, #tpu.memory_space<hbm>> -> memref<80x128xf32, #tpu.memory_space<hbm>>
      %dma_wait3A_127 = arith.constant 0 : i32
      %dma_wait3A_128 = tpu.memref_slice %arg4[%add3A_65, %dma_wait3A_127] : memref<25600x128xf32, #tpu.memory_space<hbm>> -> memref<80x128xf32, #tpu.memory_space<hbm>>
      tpu.wait_dma2 semaphore(%run_scoped3A : memref<!tpu.dma_semaphore, #tpu.memory_space<semaphore_mem>>) src(%arg6 : memref<80x128xf32, #tpu.memory_space<vmem>>) dst(%dma_wait3A_128 : memref<80x128xf32, #tpu.memory_space<hbm>>)
      tpu.yield
    }) : () -> ()
    %dma_start3A_66 = arith.constant 480 : i32
    %dma_start3A_67 = tpu.memref_slice %arg5[%dma_start3A_66] : memref<800xi32, #tpu.memory_space<vmem>> -> memref<80xi32, #tpu.memory_space<vmem>>
    %dma_start3A_68 = arith.constant 0 : i32
    %dma_start3A_69 = arith.constant 0 : i32
    %dma_start3A_70 = tpu.memref_slice %arg2[%dma_start3A_68, %dma_start3A_69] : memref<100000x128xf32, #tpu.memory_space<hbm>> -> memref<100000x128xf32, #tpu.memory_space<hbm>>
    tpu.enqueue_indirect_dma source(%dma_start3A_70 : memref<100000x128xf32, #tpu.memory_space<hbm>>) target(%arg6 : memref<80x128xf32, #tpu.memory_space<vmem>>) offsets(%dma_start3A_67 : memref<80xi32, #tpu.memory_space<vmem>>) semaphore(%arg8 : memref<!tpu.dma_semaphore, #tpu.memory_space<semaphore_mem>>)
    %dma_wait3A_71 = arith.constant 400 : i32
    %dma_wait3A_72 = tpu.memref_slice %arg5[%dma_wait3A_71] : memref<800xi32, #tpu.memory_space<vmem>> -> memref<80xi32, #tpu.memory_space<vmem>>
    %dma_wait3A_73 = arith.constant 0 : i32
    %dma_wait3A_74 = arith.constant 0 : i32
    %dma_wait3A_75 = tpu.memref_slice %arg2[%dma_wait3A_73, %dma_wait3A_74] : memref<100000x128xf32, #tpu.memory_space<hbm>> -> memref<100000x128xf32, #tpu.memory_space<hbm>>
    tpu.wait_indirect_dma semaphore(%arg9 : memref<!tpu.dma_semaphore, #tpu.memory_space<semaphore_mem>>) src(%dma_wait3A_75 : memref<100000x128xf32, #tpu.memory_space<hbm>>) dst(%arg7 : memref<80x128xf32, #tpu.memory_space<vmem>>)
    %add3A_76 = arith.constant 400 : i32
    %add3A_77 = arith.addi %mul3A_2, %add3A_76 : i32
    "tpu.region"() ({
      %run_scoped3A = tpu.sem_alloc : memref<!tpu.dma_semaphore, #tpu.memory_space<semaphore_mem>>
      %dma_start3A_121 = arith.constant 0 : i32
      %dma_start3A_122 = tpu.memref_slice %arg4[%add3A_77, %dma_start3A_121] : memref<25600x128xf32, #tpu.memory_space<hbm>> -> memref<80x128xf32, #tpu.memory_space<hbm>>
      %dma_start3A_123 = arith.constant 0 : i32
      %dma_start3A_124 = tpu.memref_slice %arg4[%add3A_77, %dma_start3A_123] : memref<25600x128xf32, #tpu.memory_space<hbm>> -> memref<80x128xf32, #tpu.memory_space<hbm>>
      tpu.enqueue_dma source(%arg7 : memref<80x128xf32, #tpu.memory_space<vmem>>) target(%dma_start3A_124 : memref<80x128xf32, #tpu.memory_space<hbm>>) target_semaphore(%run_scoped3A : memref<!tpu.dma_semaphore, #tpu.memory_space<semaphore_mem>>)
      %dma_wait3A_125 = arith.constant 0 : i32
      %dma_wait3A_126 = tpu.memref_slice %arg4[%add3A_77, %dma_wait3A_125] : memref<25600x128xf32, #tpu.memory_space<hbm>> -> memref<80x128xf32, #tpu.memory_space<hbm>>
      %dma_wait3A_127 = arith.constant 0 : i32
      %dma_wait3A_128 = tpu.memref_slice %arg4[%add3A_77, %dma_wait3A_127] : memref<25600x128xf32, #tpu.memory_space<hbm>> -> memref<80x128xf32, #tpu.memory_space<hbm>>
      tpu.wait_dma2 semaphore(%run_scoped3A : memref<!tpu.dma_semaphore, #tpu.memory_space<semaphore_mem>>) src(%arg7 : memref<80x128xf32, #tpu.memory_space<vmem>>) dst(%dma_wait3A_128 : memref<80x128xf32, #tpu.memory_space<hbm>>)
      tpu.yield
    }) : () -> ()
    %dma_start3A_78 = arith.constant 560 : i32
    %dma_start3A_79 = tpu.memref_slice %arg5[%dma_start3A_78] : memref<800xi32, #tpu.memory_space<vmem>> -> memref<80xi32, #tpu.memory_space<vmem>>
    %dma_start3A_80 = arith.constant 0 : i32
    %dma_start3A_81 = arith.constant 0 : i32
    %dma_start3A_82 = tpu.memref_slice %arg2[%dma_start3A_80, %dma_start3A_81] : memref<100000x128xf32, #tpu.memory_space<hbm>> -> memref<100000x128xf32, #tpu.memory_space<hbm>>
    tpu.enqueue_indirect_dma source(%dma_start3A_82 : memref<100000x128xf32, #tpu.memory_space<hbm>>) target(%arg7 : memref<80x128xf32, #tpu.memory_space<vmem>>) offsets(%dma_start3A_79 : memref<80xi32, #tpu.memory_space<vmem>>) semaphore(%arg9 : memref<!tpu.dma_semaphore, #tpu.memory_space<semaphore_mem>>)
    %dma_wait3A_83 = arith.constant 480 : i32
    %dma_wait3A_84 = tpu.memref_slice %arg5[%dma_wait3A_83] : memref<800xi32, #tpu.memory_space<vmem>> -> memref<80xi32, #tpu.memory_space<vmem>>
    %dma_wait3A_85 = arith.constant 0 : i32
    %dma_wait3A_86 = arith.constant 0 : i32
    %dma_wait3A_87 = tpu.memref_slice %arg2[%dma_wait3A_85, %dma_wait3A_86] : memref<100000x128xf32, #tpu.memory_space<hbm>> -> memref<100000x128xf32, #tpu.memory_space<hbm>>
    tpu.wait_indirect_dma semaphore(%arg8 : memref<!tpu.dma_semaphore, #tpu.memory_space<semaphore_mem>>) src(%dma_wait3A_87 : memref<100000x128xf32, #tpu.memory_space<hbm>>) dst(%arg6 : memref<80x128xf32, #tpu.memory_space<vmem>>)
    %add3A_88 = arith.constant 480 : i32
    %add3A_89 = arith.addi %mul3A_2, %add3A_88 : i32
    "tpu.region"() ({
      %run_scoped3A = tpu.sem_alloc : memref<!tpu.dma_semaphore, #tpu.memory_space<semaphore_mem>>
      %dma_start3A_121 = arith.constant 0 : i32
      %dma_start3A_122 = tpu.memref_slice %arg4[%add3A_89, %dma_start3A_121] : memref<25600x128xf32, #tpu.memory_space<hbm>> -> memref<80x128xf32, #tpu.memory_space<hbm>>
      %dma_start3A_123 = arith.constant 0 : i32
      %dma_start3A_124 = tpu.memref_slice %arg4[%add3A_89, %dma_start3A_123] : memref<25600x128xf32, #tpu.memory_space<hbm>> -> memref<80x128xf32, #tpu.memory_space<hbm>>
      tpu.enqueue_dma source(%arg6 : memref<80x128xf32, #tpu.memory_space<vmem>>) target(%dma_start3A_124 : memref<80x128xf32, #tpu.memory_space<hbm>>) target_semaphore(%run_scoped3A : memref<!tpu.dma_semaphore, #tpu.memory_space<semaphore_mem>>)
      %dma_wait3A_125 = arith.constant 0 : i32
      %dma_wait3A_126 = tpu.memref_slice %arg4[%add3A_89, %dma_wait3A_125] : memref<25600x128xf32, #tpu.memory_space<hbm>> -> memref<80x128xf32, #tpu.memory_space<hbm>>
      %dma_wait3A_127 = arith.constant 0 : i32
      %dma_wait3A_128 = tpu.memref_slice %arg4[%add3A_89, %dma_wait3A_127] : memref<25600x128xf32, #tpu.memory_space<hbm>> -> memref<80x128xf32, #tpu.memory_space<hbm>>
      tpu.wait_dma2 semaphore(%run_scoped3A : memref<!tpu.dma_semaphore, #tpu.memory_space<semaphore_mem>>) src(%arg6 : memref<80x128xf32, #tpu.memory_space<vmem>>) dst(%dma_wait3A_128 : memref<80x128xf32, #tpu.memory_space<hbm>>)
      tpu.yield
    }) : () -> ()
    %dma_start3A_90 = arith.constant 640 : i32
    %dma_start3A_91 = tpu.memref_slice %arg5[%dma_start3A_90] : memref<800xi32, #tpu.memory_space<vmem>> -> memref<80xi32, #tpu.memory_space<vmem>>
    %dma_start3A_92 = arith.constant 0 : i32
    %dma_start3A_93 = arith.constant 0 : i32
    %dma_start3A_94 = tpu.memref_slice %arg2[%dma_start3A_92, %dma_start3A_93] : memref<100000x128xf32, #tpu.memory_space<hbm>> -> memref<100000x128xf32, #tpu.memory_space<hbm>>
    tpu.enqueue_indirect_dma source(%dma_start3A_94 : memref<100000x128xf32, #tpu.memory_space<hbm>>) target(%arg6 : memref<80x128xf32, #tpu.memory_space<vmem>>) offsets(%dma_start3A_91 : memref<80xi32, #tpu.memory_space<vmem>>) semaphore(%arg8 : memref<!tpu.dma_semaphore, #tpu.memory_space<semaphore_mem>>)
    %dma_wait3A_95 = arith.constant 560 : i32
    %dma_wait3A_96 = tpu.memref_slice %arg5[%dma_wait3A_95] : memref<800xi32, #tpu.memory_space<vmem>> -> memref<80xi32, #tpu.memory_space<vmem>>
    %dma_wait3A_97 = arith.constant 0 : i32
    %dma_wait3A_98 = arith.constant 0 : i32
    %dma_wait3A_99 = tpu.memref_slice %arg2[%dma_wait3A_97, %dma_wait3A_98] : memref<100000x128xf32, #tpu.memory_space<hbm>> -> memref<100000x128xf32, #tpu.memory_space<hbm>>
    tpu.wait_indirect_dma semaphore(%arg9 : memref<!tpu.dma_semaphore, #tpu.memory_space<semaphore_mem>>) src(%dma_wait3A_99 : memref<100000x128xf32, #tpu.memory_space<hbm>>) dst(%arg7 : memref<80x128xf32, #tpu.memory_space<vmem>>)
    %add3A_100 = arith.constant 560 : i32
    %add3A_101 = arith.addi %mul3A_2, %add3A_100 : i32
    "tpu.region"() ({
      %run_scoped3A = tpu.sem_alloc : memref<!tpu.dma_semaphore, #tpu.memory_space<semaphore_mem>>
      %dma_start3A_121 = arith.constant 0 : i32
      %dma_start3A_122 = tpu.memref_slice %arg4[%add3A_101, %dma_start3A_121] : memref<25600x128xf32, #tpu.memory_space<hbm>> -> memref<80x128xf32, #tpu.memory_space<hbm>>
      %dma_start3A_123 = arith.constant 0 : i32
      %dma_start3A_124 = tpu.memref_slice %arg4[%add3A_101, %dma_start3A_123] : memref<25600x128xf32, #tpu.memory_space<hbm>> -> memref<80x128xf32, #tpu.memory_space<hbm>>
      tpu.enqueue_dma source(%arg7 : memref<80x128xf32, #tpu.memory_space<vmem>>) target(%dma_start3A_124 : memref<80x128xf32, #tpu.memory_space<hbm>>) target_semaphore(%run_scoped3A : memref<!tpu.dma_semaphore, #tpu.memory_space<semaphore_mem>>)
      %dma_wait3A_125 = arith.constant 0 : i32
      %dma_wait3A_126 = tpu.memref_slice %arg4[%add3A_101, %dma_wait3A_125] : memref<25600x128xf32, #tpu.memory_space<hbm>> -> memref<80x128xf32, #tpu.memory_space<hbm>>
      %dma_wait3A_127 = arith.constant 0 : i32
      %dma_wait3A_128 = tpu.memref_slice %arg4[%add3A_101, %dma_wait3A_127] : memref<25600x128xf32, #tpu.memory_space<hbm>> -> memref<80x128xf32, #tpu.memory_space<hbm>>
      tpu.wait_dma2 semaphore(%run_scoped3A : memref<!tpu.dma_semaphore, #tpu.memory_space<semaphore_mem>>) src(%arg7 : memref<80x128xf32, #tpu.memory_space<vmem>>) dst(%dma_wait3A_128 : memref<80x128xf32, #tpu.memory_space<hbm>>)
      tpu.yield
    }) : () -> ()
    %dma_start3A_102 = arith.constant 720 : i32
    %dma_start3A_103 = tpu.memref_slice %arg5[%dma_start3A_102] : memref<800xi32, #tpu.memory_space<vmem>> -> memref<80xi32, #tpu.memory_space<vmem>>
    %dma_start3A_104 = arith.constant 0 : i32
    %dma_start3A_105 = arith.constant 0 : i32
    %dma_start3A_106 = tpu.memref_slice %arg2[%dma_start3A_104, %dma_start3A_105] : memref<100000x128xf32, #tpu.memory_space<hbm>> -> memref<100000x128xf32, #tpu.memory_space<hbm>>
    tpu.enqueue_indirect_dma source(%dma_start3A_106 : memref<100000x128xf32, #tpu.memory_space<hbm>>) target(%arg7 : memref<80x128xf32, #tpu.memory_space<vmem>>) offsets(%dma_start3A_103 : memref<80xi32, #tpu.memory_space<vmem>>) semaphore(%arg9 : memref<!tpu.dma_semaphore, #tpu.memory_space<semaphore_mem>>)
    %dma_wait3A_107 = arith.constant 640 : i32
    %dma_wait3A_108 = tpu.memref_slice %arg5[%dma_wait3A_107] : memref<800xi32, #tpu.memory_space<vmem>> -> memref<80xi32, #tpu.memory_space<vmem>>
    %dma_wait3A_109 = arith.constant 0 : i32
    %dma_wait3A_110 = arith.constant 0 : i32
    %dma_wait3A_111 = tpu.memref_slice %arg2[%dma_wait3A_109, %dma_wait3A_110] : memref<100000x128xf32, #tpu.memory_space<hbm>> -> memref<100000x128xf32, #tpu.memory_space<hbm>>
    tpu.wait_indirect_dma semaphore(%arg8 : memref<!tpu.dma_semaphore, #tpu.memory_space<semaphore_mem>>) src(%dma_wait3A_111 : memref<100000x128xf32, #tpu.memory_space<hbm>>) dst(%arg6 : memref<80x128xf32, #tpu.memory_space<vmem>>)
    %add3A_112 = arith.constant 640 : i32
    %add3A_113 = arith.addi %mul3A_2, %add3A_112 : i32
    "tpu.region"() ({
      %run_scoped3A = tpu.sem_alloc : memref<!tpu.dma_semaphore, #tpu.memory_space<semaphore_mem>>
      %dma_start3A_121 = arith.constant 0 : i32
      %dma_start3A_122 = tpu.memref_slice %arg4[%add3A_113, %dma_start3A_121] : memref<25600x128xf32, #tpu.memory_space<hbm>> -> memref<80x128xf32, #tpu.memory_space<hbm>>
      %dma_start3A_123 = arith.constant 0 : i32
      %dma_start3A_124 = tpu.memref_slice %arg4[%add3A_113, %dma_start3A_123] : memref<25600x128xf32, #tpu.memory_space<hbm>> -> memref<80x128xf32, #tpu.memory_space<hbm>>
      tpu.enqueue_dma source(%arg6 : memref<80x128xf32, #tpu.memory_space<vmem>>) target(%dma_start3A_124 : memref<80x128xf32, #tpu.memory_space<hbm>>) target_semaphore(%run_scoped3A : memref<!tpu.dma_semaphore, #tpu.memory_space<semaphore_mem>>)
      %dma_wait3A_125 = arith.constant 0 : i32
      %dma_wait3A_126 = tpu.memref_slice %arg4[%add3A_113, %dma_wait3A_125] : memref<25600x128xf32, #tpu.memory_space<hbm>> -> memref<80x128xf32, #tpu.memory_space<hbm>>
      %dma_wait3A_127 = arith.constant 0 : i32
      %dma_wait3A_128 = tpu.memref_slice %arg4[%add3A_113, %dma_wait3A_127] : memref<25600x128xf32, #tpu.memory_space<hbm>> -> memref<80x128xf32, #tpu.memory_space<hbm>>
      tpu.wait_dma2 semaphore(%run_scoped3A : memref<!tpu.dma_semaphore, #tpu.memory_space<semaphore_mem>>) src(%arg6 : memref<80x128xf32, #tpu.memory_space<vmem>>) dst(%dma_wait3A_128 : memref<80x128xf32, #tpu.memory_space<hbm>>)
      tpu.yield
    }) : () -> ()
    %dma_wait3A_114 = arith.constant 720 : i32
    %dma_wait3A_115 = tpu.memref_slice %arg5[%dma_wait3A_114] : memref<800xi32, #tpu.memory_space<vmem>> -> memref<80xi32, #tpu.memory_space<vmem>>
    %dma_wait3A_116 = arith.constant 0 : i32
    %dma_wait3A_117 = arith.constant 0 : i32
    %dma_wait3A_118 = tpu.memref_slice %arg2[%dma_wait3A_116, %dma_wait3A_117] : memref<100000x128xf32, #tpu.memory_space<hbm>> -> memref<100000x128xf32, #tpu.memory_space<hbm>>
    tpu.wait_indirect_dma semaphore(%arg9 : memref<!tpu.dma_semaphore, #tpu.memory_space<semaphore_mem>>) src(%dma_wait3A_118 : memref<100000x128xf32, #tpu.memory_space<hbm>>) dst(%arg7 : memref<80x128xf32, #tpu.memory_space<vmem>>)
    %add3A_119 = arith.constant 720 : i32
    %add3A_120 = arith.addi %mul3A_2, %add3A_119 : i32
    "tpu.region"() ({
      %run_scoped3A = tpu.sem_alloc : memref<!tpu.dma_semaphore, #tpu.memory_space<semaphore_mem>>
      %dma_start3A_121 = arith.constant 0 : i32
      %dma_start3A_122 = tpu.memref_slice %arg4[%add3A_120, %dma_start3A_121] : memref<25600x128xf32, #tpu.memory_space<hbm>> -> memref<80x128xf32, #tpu.memory_space<hbm>>
      %dma_start3A_123 = arith.constant 0 : i32
      %dma_start3A_124 = tpu.memref_slice %arg4[%add3A_120, %dma_start3A_123] : memref<25600x128xf32, #tpu.memory_space<hbm>> -> memref<80x128xf32, #tpu.memory_space<hbm>>
      tpu.enqueue_dma source(%arg7 : memref<80x128xf32, #tpu.memory_space<vmem>>) target(%dma_start3A_124 : memref<80x128xf32, #tpu.memory_space<hbm>>) target_semaphore(%run_scoped3A : memref<!tpu.dma_semaphore, #tpu.memory_space<semaphore_mem>>)
      %dma_wait3A_125 = arith.constant 0 : i32
      %dma_wait3A_126 = tpu.memref_slice %arg4[%add3A_120, %dma_wait3A_125] : memref<25600x128xf32, #tpu.memory_space<hbm>> -> memref<80x128xf32, #tpu.memory_space<hbm>>
      %dma_wait3A_127 = arith.constant 0 : i32
      %dma_wait3A_128 = tpu.memref_slice %arg4[%add3A_120, %dma_wait3A_127] : memref<25600x128xf32, #tpu.memory_space<hbm>> -> memref<80x128xf32, #tpu.memory_space<hbm>>
      tpu.wait_dma2 semaphore(%run_scoped3A : memref<!tpu.dma_semaphore, #tpu.memory_space<semaphore_mem>>) src(%arg7 : memref<80x128xf32, #tpu.memory_space<vmem>>) dst(%dma_wait3A_128 : memref<80x128xf32, #tpu.memory_space<hbm>>)
      tpu.yield
    }) : () -> ()
    return
  }
}

#map = affine_map<(d0, d1) -> (0, 0)>
#map1 = affine_map<(d0, d1) -> (0)>
module attributes {stable_mosaic.version = 14 : i64} {
  func.func @gather_kernel(%arg0: i32, %arg1: i32, %arg2: memref<100000x128xf32, #tpu.memory_space<hbm>>, %arg3: memref<25600xi32, #tpu.memory_space<hbm>>, %arg4: memref<25600x128xf32, #tpu.memory_space<hbm>>, %arg5: memref<800xi32, #tpu.memory_space<vmem>>, %arg6: memref<80x128xf32, #tpu.memory_space<vmem>>, %arg7: memref<80x128xf32, #tpu.memory_space<vmem>>, %arg8: memref<!tpu.dma_semaphore, #tpu.memory_space<semaphore_mem>>, %arg9: memref<!tpu.dma_semaphore, #tpu.memory_space<semaphore_mem>>) attributes {dimension_semantics = [#tpu.dimension_semantics<core_parallel>, #tpu.dimension_semantics<subcore_parallel>], iteration_bounds = array<i64: 2, 16>, scalar_prefetch = 0 : i64, scratch_operands = 5 : i64, tpu.core_type = #tpu.core_type<sc_vector_subcore>, window_params = [{transform_indices = #map}, {transform_indices = #map1}, {transform_indices = #map}]} {
    %mul3A = arith.constant 2 : i32
    %mul3A_0 = arith.muli %arg1, %mul3A : i32
    %add3A = arith.addi %mul3A_0, %arg0 : i32
    %mul3A_1 = arith.constant 800 : i32
    %mul3A_2 = arith.muli %add3A, %mul3A_1 : i32
    "tpu.region"() ({
      %run_scoped3A = tpu.sem_alloc : memref<!tpu.dma_semaphore, #tpu.memory_space<semaphore_mem>>
      %dma_start3A_121 = tpu.memref_slice %arg3[%mul3A_2] : memref<25600xi32, #tpu.memory_space<hbm>> -> memref<800xi32, #tpu.memory_space<hbm>>
      %dma_start3A_122 = tpu.memref_slice %arg3[%mul3A_2] : memref<25600xi32, #tpu.memory_space<hbm>> -> memref<800xi32, #tpu.memory_space<hbm>>
      tpu.enqueue_dma source(%dma_start3A_122 : memref<800xi32, #tpu.memory_space<hbm>>) target(%arg5 : memref<800xi32, #tpu.memory_space<vmem>>) target_semaphore(%run_scoped3A : memref<!tpu.dma_semaphore, #tpu.memory_space<semaphore_mem>>)
      %dma_wait3A_123 = tpu.memref_slice %arg3[%mul3A_2] : memref<25600xi32, #tpu.memory_space<hbm>> -> memref<800xi32, #tpu.memory_space<hbm>>
      %dma_wait3A_124 = tpu.memref_slice %arg3[%mul3A_2] : memref<25600xi32, #tpu.memory_space<hbm>> -> memref<800xi32, #tpu.memory_space<hbm>>
      tpu.wait_dma2 semaphore(%run_scoped3A : memref<!tpu.dma_semaphore, #tpu.memory_space<semaphore_mem>>) src(%dma_wait3A_124 : memref<800xi32, #tpu.memory_space<hbm>>) dst(%arg5 : memref<800xi32, #tpu.memory_space<vmem>>)
      tpu.yield
    }) : () -> ()
    %dma_start3A = arith.constant 0 : i32
    %dma_start3A_3 = tpu.memref_slice %arg5[%dma_start3A] : memref<800xi32, #tpu.memory_space<vmem>> -> memref<80xi32, #tpu.memory_space<vmem>>
    %dma_start3A_4 = arith.constant 0 : i32
    %dma_start3A_5 = arith.constant 0 : i32
    %dma_start3A_6 = tpu.memref_slice %arg2[%dma_start3A_4, %dma_start3A_5] : memref<100000x128xf32, #tpu.memory_space<hbm>> -> memref<100000x128xf32, #tpu.memory_space<hbm>>
    tpu.enqueue_indirect_dma source(%dma_start3A_6 : memref<100000x128xf32, #tpu.memory_space<hbm>>) target(%arg6 : memref<80x128xf32, #tpu.memory_space<vmem>>) offsets(%dma_start3A_3 : memref<80xi32, #tpu.memory_space<vmem>>) semaphore(%arg8 : memref<!tpu.dma_semaphore, #tpu.memory_space<semaphore_mem>>)
    %dma_start3A_7 = arith.constant 80 : i32
    %dma_start3A_8 = tpu.memref_slice %arg5[%dma_start3A_7] : memref<800xi32, #tpu.memory_space<vmem>> -> memref<80xi32, #tpu.memory_space<vmem>>
    %dma_start3A_9 = arith.constant 0 : i32
    %dma_start3A_10 = arith.constant 0 : i32
    %dma_start3A_11 = tpu.memref_slice %arg2[%dma_start3A_9, %dma_start3A_10] : memref<100000x128xf32, #tpu.memory_space<hbm>> -> memref<100000x128xf32, #tpu.memory_space<hbm>>
    tpu.enqueue_indirect_dma source(%dma_start3A_11 : memref<100000x128xf32, #tpu.memory_space<hbm>>) target(%arg7 : memref<80x128xf32, #tpu.memory_space<vmem>>) offsets(%dma_start3A_8 : memref<80xi32, #tpu.memory_space<vmem>>) semaphore(%arg9 : memref<!tpu.dma_semaphore, #tpu.memory_space<semaphore_mem>>)
    %dma_wait3A = arith.constant 0 : i32
    %dma_wait3A_12 = tpu.memref_slice %arg5[%dma_wait3A] : memref<800xi32, #tpu.memory_space<vmem>> -> memref<80xi32, #tpu.memory_space<vmem>>
    %dma_wait3A_13 = arith.constant 0 : i32
    %dma_wait3A_14 = arith.constant 0 : i32
    %dma_wait3A_15 = tpu.memref_slice %arg2[%dma_wait3A_13, %dma_wait3A_14] : memref<100000x128xf32, #tpu.memory_space<hbm>> -> memref<100000x128xf32, #tpu.memory_space<hbm>>
    tpu.wait_indirect_dma semaphore(%arg8 : memref<!tpu.dma_semaphore, #tpu.memory_space<semaphore_mem>>) src(%dma_wait3A_15 : memref<100000x128xf32, #tpu.memory_space<hbm>>) dst(%arg6 : memref<80x128xf32, #tpu.memory_space<vmem>>)
    %add3A_16 = arith.constant 0 : i32
    %add3A_17 = arith.addi %mul3A_2, %add3A_16 : i32
    "tpu.region"() ({
      %run_scoped3A = tpu.sem_alloc : memref<!tpu.dma_semaphore, #tpu.memory_space<semaphore_mem>>
      %dma_start3A_121 = arith.constant 0 : i32
      %dma_start3A_122 = tpu.memref_slice %arg4[%add3A_17, %dma_start3A_121] : memref<25600x128xf32, #tpu.memory_space<hbm>> -> memref<80x128xf32, #tpu.memory_space<hbm>>
      %dma_start3A_123 = arith.constant 0 : i32
      %dma_start3A_124 = tpu.memref_slice %arg4[%add3A_17, %dma_start3A_123] : memref<25600x128xf32, #tpu.memory_space<hbm>> -> memref<80x128xf32, #tpu.memory_space<hbm>>
      tpu.enqueue_dma source(%arg6 : memref<80x128xf32, #tpu.memory_space<vmem>>) target(%dma_start3A_124 : memref<80x128xf32, #tpu.memory_space<hbm>>) target_semaphore(%run_scoped3A : memref<!tpu.dma_semaphore, #tpu.memory_space<semaphore_mem>>)
      %dma_wait3A_125 = arith.constant 0 : i32
      %dma_wait3A_126 = tpu.memref_slice %arg4[%add3A_17, %dma_wait3A_125] : memref<25600x128xf32, #tpu.memory_space<hbm>> -> memref<80x128xf32, #tpu.memory_space<hbm>>
      %dma_wait3A_127 = arith.constant 0 : i32
      %dma_wait3A_128 = tpu.memref_slice %arg4[%add3A_17, %dma_wait3A_127] : memref<25600x128xf32, #tpu.memory_space<hbm>> -> memref<80x128xf32, #tpu.memory_space<hbm>>
      tpu.wait_dma2 semaphore(%run_scoped3A : memref<!tpu.dma_semaphore, #tpu.memory_space<semaphore_mem>>) src(%arg6 : memref<80x128xf32, #tpu.memory_space<vmem>>) dst(%dma_wait3A_128 : memref<80x128xf32, #tpu.memory_space<hbm>>)
      tpu.yield
    }) : () -> ()
    %dma_start3A_18 = arith.constant 160 : i32
    %dma_start3A_19 = tpu.memref_slice %arg5[%dma_start3A_18] : memref<800xi32, #tpu.memory_space<vmem>> -> memref<80xi32, #tpu.memory_space<vmem>>
    %dma_start3A_20 = arith.constant 0 : i32
    %dma_start3A_21 = arith.constant 0 : i32
    %dma_start3A_22 = tpu.memref_slice %arg2[%dma_start3A_20, %dma_start3A_21] : memref<100000x128xf32, #tpu.memory_space<hbm>> -> memref<100000x128xf32, #tpu.memory_space<hbm>>
    tpu.enqueue_indirect_dma source(%dma_start3A_22 : memref<100000x128xf32, #tpu.memory_space<hbm>>) target(%arg6 : memref<80x128xf32, #tpu.memory_space<vmem>>) offsets(%dma_start3A_19 : memref<80xi32, #tpu.memory_space<vmem>>) semaphore(%arg8 : memref<!tpu.dma_semaphore, #tpu.memory_space<semaphore_mem>>)
    %dma_wait3A_23 = arith.constant 80 : i32
    %dma_wait3A_24 = tpu.memref_slice %arg5[%dma_wait3A_23] : memref<800xi32, #tpu.memory_space<vmem>> -> memref<80xi32, #tpu.memory_space<vmem>>
    %dma_wait3A_25 = arith.constant 0 : i32
    %dma_wait3A_26 = arith.constant 0 : i32
    %dma_wait3A_27 = tpu.memref_slice %arg2[%dma_wait3A_25, %dma_wait3A_26] : memref<100000x128xf32, #tpu.memory_space<hbm>> -> memref<100000x128xf32, #tpu.memory_space<hbm>>
    tpu.wait_indirect_dma semaphore(%arg9 : memref<!tpu.dma_semaphore, #tpu.memory_space<semaphore_mem>>) src(%dma_wait3A_27 : memref<100000x128xf32, #tpu.memory_space<hbm>>) dst(%arg7 : memref<80x128xf32, #tpu.memory_space<vmem>>)
    %add3A_28 = arith.constant 80 : i32
    %add3A_29 = arith.addi %mul3A_2, %add3A_28 : i32
    "tpu.region"() ({
      %run_scoped3A = tpu.sem_alloc : memref<!tpu.dma_semaphore, #tpu.memory_space<semaphore_mem>>
      %dma_start3A_121 = arith.constant 0 : i32
      %dma_start3A_122 = tpu.memref_slice %arg4[%add3A_29, %dma_start3A_121] : memref<25600x128xf32, #tpu.memory_space<hbm>> -> memref<80x128xf32, #tpu.memory_space<hbm>>
      %dma_start3A_123 = arith.constant 0 : i32
      %dma_start3A_124 = tpu.memref_slice %arg4[%add3A_29, %dma_start3A_123] : memref<25600x128xf32, #tpu.memory_space<hbm>> -> memref<80x128xf32, #tpu.memory_space<hbm>>
      tpu.enqueue_dma source(%arg7 : memref<80x128xf32, #tpu.memory_space<vmem>>) target(%dma_start3A_124 : memref<80x128xf32, #tpu.memory_space<hbm>>) target_semaphore(%run_scoped3A : memref<!tpu.dma_semaphore, #tpu.memory_space<semaphore_mem>>)
      %dma_wait3A_125 = arith.constant 0 : i32
      %dma_wait3A_126 = tpu.memref_slice %arg4[%add3A_29, %dma_wait3A_125] : memref<25600x128xf32, #tpu.memory_space<hbm>> -> memref<80x128xf32, #tpu.memory_space<hbm>>
      %dma_wait3A_127 = arith.constant 0 : i32
      %dma_wait3A_128 = tpu.memref_slice %arg4[%add3A_29, %dma_wait3A_127] : memref<25600x128xf32, #tpu.memory_space<hbm>> -> memref<80x128xf32, #tpu.memory_space<hbm>>
      tpu.wait_dma2 semaphore(%run_scoped3A : memref<!tpu.dma_semaphore, #tpu.memory_space<semaphore_mem>>) src(%arg7 : memref<80x128xf32, #tpu.memory_space<vmem>>) dst(%dma_wait3A_128 : memref<80x128xf32, #tpu.memory_space<hbm>>)
      tpu.yield
    }) : () -> ()
    %dma_start3A_30 = arith.constant 240 : i32
    %dma_start3A_31 = tpu.memref_slice %arg5[%dma_start3A_30] : memref<800xi32, #tpu.memory_space<vmem>> -> memref<80xi32, #tpu.memory_space<vmem>>
    %dma_start3A_32 = arith.constant 0 : i32
    %dma_start3A_33 = arith.constant 0 : i32
    %dma_start3A_34 = tpu.memref_slice %arg2[%dma_start3A_32, %dma_start3A_33] : memref<100000x128xf32, #tpu.memory_space<hbm>> -> memref<100000x128xf32, #tpu.memory_space<hbm>>
    tpu.enqueue_indirect_dma source(%dma_start3A_34 : memref<100000x128xf32, #tpu.memory_space<hbm>>) target(%arg7 : memref<80x128xf32, #tpu.memory_space<vmem>>) offsets(%dma_start3A_31 : memref<80xi32, #tpu.memory_space<vmem>>) semaphore(%arg9 : memref<!tpu.dma_semaphore, #tpu.memory_space<semaphore_mem>>)
    %dma_wait3A_35 = arith.constant 160 : i32
    %dma_wait3A_36 = tpu.memref_slice %arg5[%dma_wait3A_35] : memref<800xi32, #tpu.memory_space<vmem>> -> memref<80xi32, #tpu.memory_space<vmem>>
    %dma_wait3A_37 = arith.constant 0 : i32
    %dma_wait3A_38 = arith.constant 0 : i32
    %dma_wait3A_39 = tpu.memref_slice %arg2[%dma_wait3A_37, %dma_wait3A_38] : memref<100000x128xf32, #tpu.memory_space<hbm>> -> memref<100000x128xf32, #tpu.memory_space<hbm>>
    tpu.wait_indirect_dma semaphore(%arg8 : memref<!tpu.dma_semaphore, #tpu.memory_space<semaphore_mem>>) src(%dma_wait3A_39 : memref<100000x128xf32, #tpu.memory_space<hbm>>) dst(%arg6 : memref<80x128xf32, #tpu.memory_space<vmem>>)
    %add3A_40 = arith.constant 160 : i32
    %add3A_41 = arith.addi %mul3A_2, %add3A_40 : i32
    "tpu.region"() ({
      %run_scoped3A = tpu.sem_alloc : memref<!tpu.dma_semaphore, #tpu.memory_space<semaphore_mem>>
      %dma_start3A_121 = arith.constant 0 : i32
      %dma_start3A_122 = tpu.memref_slice %arg4[%add3A_41, %dma_start3A_121] : memref<25600x128xf32, #tpu.memory_space<hbm>> -> memref<80x128xf32, #tpu.memory_space<hbm>>
      %dma_start3A_123 = arith.constant 0 : i32
      %dma_start3A_124 = tpu.memref_slice %arg4[%add3A_41, %dma_start3A_123] : memref<25600x128xf32, #tpu.memory_space<hbm>> -> memref<80x128xf32, #tpu.memory_space<hbm>>
      tpu.enqueue_dma source(%arg6 : memref<80x128xf32, #tpu.memory_space<vmem>>) target(%dma_start3A_124 : memref<80x128xf32, #tpu.memory_space<hbm>>) target_semaphore(%run_scoped3A : memref<!tpu.dma_semaphore, #tpu.memory_space<semaphore_mem>>)
      %dma_wait3A_125 = arith.constant 0 : i32
      %dma_wait3A_126 = tpu.memref_slice %arg4[%add3A_41, %dma_wait3A_125] : memref<25600x128xf32, #tpu.memory_space<hbm>> -> memref<80x128xf32, #tpu.memory_space<hbm>>
      %dma_wait3A_127 = arith.constant 0 : i32
      %dma_wait3A_128 = tpu.memref_slice %arg4[%add3A_41, %dma_wait3A_127] : memref<25600x128xf32, #tpu.memory_space<hbm>> -> memref<80x128xf32, #tpu.memory_space<hbm>>
      tpu.wait_dma2 semaphore(%run_scoped3A : memref<!tpu.dma_semaphore, #tpu.memory_space<semaphore_mem>>) src(%arg6 : memref<80x128xf32, #tpu.memory_space<vmem>>) dst(%dma_wait3A_128 : memref<80x128xf32, #tpu.memory_space<hbm>>)
      tpu.yield
    }) : () -> ()
    %dma_start3A_42 = arith.constant 320 : i32
    %dma_start3A_43 = tpu.memref_slice %arg5[%dma_start3A_42] : memref<800xi32, #tpu.memory_space<vmem>> -> memref<80xi32, #tpu.memory_space<vmem>>
    %dma_start3A_44 = arith.constant 0 : i32
    %dma_start3A_45 = arith.constant 0 : i32
    %dma_start3A_46 = tpu.memref_slice %arg2[%dma_start3A_44, %dma_start3A_45] : memref<100000x128xf32, #tpu.memory_space<hbm>> -> memref<100000x128xf32, #tpu.memory_space<hbm>>
    tpu.enqueue_indirect_dma source(%dma_start3A_46 : memref<100000x128xf32, #tpu.memory_space<hbm>>) target(%arg6 : memref<80x128xf32, #tpu.memory_space<vmem>>) offsets(%dma_start3A_43 : memref<80xi32, #tpu.memory_space<vmem>>) semaphore(%arg8 : memref<!tpu.dma_semaphore, #tpu.memory_space<semaphore_mem>>)
    %dma_wait3A_47 = arith.constant 240 : i32
    %dma_wait3A_48 = tpu.memref_slice %arg5[%dma_wait3A_47] : memref<800xi32, #tpu.memory_space<vmem>> -> memref<80xi32, #tpu.memory_space<vmem>>
    %dma_wait3A_49 = arith.constant 0 : i32
    %dma_wait3A_50 = arith.constant 0 : i32
    %dma_wait3A_51 = tpu.memref_slice %arg2[%dma_wait3A_49, %dma_wait3A_50] : memref<100000x128xf32, #tpu.memory_space<hbm>> -> memref<100000x128xf32, #tpu.memory_space<hbm>>
    tpu.wait_indirect_dma semaphore(%arg9 : memref<!tpu.dma_semaphore, #tpu.memory_space<semaphore_mem>>) src(%dma_wait3A_51 : memref<100000x128xf32, #tpu.memory_space<hbm>>) dst(%arg7 : memref<80x128xf32, #tpu.memory_space<vmem>>)
    %add3A_52 = arith.constant 240 : i32
    %add3A_53 = arith.addi %mul3A_2, %add3A_52 : i32
    "tpu.region"() ({
      %run_scoped3A = tpu.sem_alloc : memref<!tpu.dma_semaphore, #tpu.memory_space<semaphore_mem>>
      %dma_start3A_121 = arith.constant 0 : i32
      %dma_start3A_122 = tpu.memref_slice %arg4[%add3A_53, %dma_start3A_121] : memref<25600x128xf32, #tpu.memory_space<hbm>> -> memref<80x128xf32, #tpu.memory_space<hbm>>
      %dma_start3A_123 = arith.constant 0 : i32
      %dma_start3A_124 = tpu.memref_slice %arg4[%add3A_53, %dma_start3A_123] : memref<25600x128xf32, #tpu.memory_space<hbm>> -> memref<80x128xf32, #tpu.memory_space<hbm>>
      tpu.enqueue_dma source(%arg7 : memref<80x128xf32, #tpu.memory_space<vmem>>) target(%dma_start3A_124 : memref<80x128xf32, #tpu.memory_space<hbm>>) target_semaphore(%run_scoped3A : memref<!tpu.dma_semaphore, #tpu.memory_space<semaphore_mem>>)
      %dma_wait3A_125 = arith.constant 0 : i32
      %dma_wait3A_126 = tpu.memref_slice %arg4[%add3A_53, %dma_wait3A_125] : memref<25600x128xf32, #tpu.memory_space<hbm>> -> memref<80x128xf32, #tpu.memory_space<hbm>>
      %dma_wait3A_127 = arith.constant 0 : i32
      %dma_wait3A_128 = tpu.memref_slice %arg4[%add3A_53, %dma_wait3A_127] : memref<25600x128xf32, #tpu.memory_space<hbm>> -> memref<80x128xf32, #tpu.memory_space<hbm>>
      tpu.wait_dma2 semaphore(%run_scoped3A : memref<!tpu.dma_semaphore, #tpu.memory_space<semaphore_mem>>) src(%arg7 : memref<80x128xf32, #tpu.memory_space<vmem>>) dst(%dma_wait3A_128 : memref<80x128xf32, #tpu.memory_space<hbm>>)
      tpu.yield
    }) : () -> ()
    %dma_start3A_54 = arith.constant 400 : i32
    %dma_start3A_55 = tpu.memref_slice %arg5[%dma_start3A_54] : memref<800xi32, #tpu.memory_space<vmem>> -> memref<80xi32, #tpu.memory_space<vmem>>
    %dma_start3A_56 = arith.constant 0 : i32
    %dma_start3A_57 = arith.constant 0 : i32
    %dma_start3A_58 = tpu.memref_slice %arg2[%dma_start3A_56, %dma_start3A_57] : memref<100000x128xf32, #tpu.memory_space<hbm>> -> memref<100000x128xf32, #tpu.memory_space<hbm>>
    tpu.enqueue_indirect_dma source(%dma_start3A_58 : memref<100000x128xf32, #tpu.memory_space<hbm>>) target(%arg7 : memref<80x128xf32, #tpu.memory_space<vmem>>) offsets(%dma_start3A_55 : memref<80xi32, #tpu.memory_space<vmem>>) semaphore(%arg9 : memref<!tpu.dma_semaphore, #tpu.memory_space<semaphore_mem>>)
    %dma_wait3A_59 = arith.constant 320 : i32
    %dma_wait3A_60 = tpu.memref_slice %arg5[%dma_wait3A_59] : memref<800xi32, #tpu.memory_space<vmem>> -> memref<80xi32, #tpu.memory_space<vmem>>
    %dma_wait3A_61 = arith.constant 0 : i32
    %dma_wait3A_62 = arith.constant 0 : i32
    %dma_wait3A_63 = tpu.memref_slice %arg2[%dma_wait3A_61, %dma_wait3A_62] : memref<100000x128xf32, #tpu.memory_space<hbm>> -> memref<100000x128xf32, #tpu.memory_space<hbm>>
    tpu.wait_indirect_dma semaphore(%arg8 : memref<!tpu.dma_semaphore, #tpu.memory_space<semaphore_mem>>) src(%dma_wait3A_63 : memref<100000x128xf32, #tpu.memory_space<hbm>>) dst(%arg6 : memref<80x128xf32, #tpu.memory_space<vmem>>)
    %add3A_64 = arith.constant 320 : i32
    %add3A_65 = arith.addi %mul3A_2, %add3A_64 : i32
    "tpu.region"() ({
      %run_scoped3A = tpu.sem_alloc : memref<!tpu.dma_semaphore, #tpu.memory_space<semaphore_mem>>
      %dma_start3A_121 = arith.constant 0 : i32
      %dma_start3A_122 = tpu.memref_slice %arg4[%add3A_65, %dma_start3A_121] : memref<25600x128xf32, #tpu.memory_space<hbm>> -> memref<80x128xf32, #tpu.memory_space<hbm>>
      %dma_start3A_123 = arith.constant 0 : i32
      %dma_start3A_124 = tpu.memref_slice %arg4[%add3A_65, %dma_start3A_123] : memref<25600x128xf32, #tpu.memory_space<hbm>> -> memref<80x128xf32, #tpu.memory_space<hbm>>
      tpu.enqueue_dma source(%arg6 : memref<80x128xf32, #tpu.memory_space<vmem>>) target(%dma_start3A_124 : memref<80x128xf32, #tpu.memory_space<hbm>>) target_semaphore(%run_scoped3A : memref<!tpu.dma_semaphore, #tpu.memory_space<semaphore_mem>>)
      %dma_wait3A_125 = arith.constant 0 : i32
      %dma_wait3A_126 = tpu.memref_slice %arg4[%add3A_65, %dma_wait3A_125] : memref<25600x128xf32, #tpu.memory_space<hbm>> -> memref<80x128xf32, #tpu.memory_space<hbm>>
      %dma_wait3A_127 = arith.constant 0 : i32
      %dma_wait3A_128 = tpu.memref_slice %arg4[%add3A_65, %dma_wait3A_127] : memref<25600x128xf32, #tpu.memory_space<hbm>> -> memref<80x128xf32, #tpu.memory_space<hbm>>
      tpu.wait_dma2 semaphore(%run_scoped3A : memref<!tpu.dma_semaphore, #tpu.memory_space<semaphore_mem>>) src(%arg6 : memref<80x128xf32, #tpu.memory_space<vmem>>) dst(%dma_wait3A_128 : memref<80x128xf32, #tpu.memory_space<hbm>>)
      tpu.yield
    }) : () -> ()
    %dma_start3A_66 = arith.constant 480 : i32
    %dma_start3A_67 = tpu.memref_slice %arg5[%dma_start3A_66] : memref<800xi32, #tpu.memory_space<vmem>> -> memref<80xi32, #tpu.memory_space<vmem>>
    %dma_start3A_68 = arith.constant 0 : i32
    %dma_start3A_69 = arith.constant 0 : i32
    %dma_start3A_70 = tpu.memref_slice %arg2[%dma_start3A_68, %dma_start3A_69] : memref<100000x128xf32, #tpu.memory_space<hbm>> -> memref<100000x128xf32, #tpu.memory_space<hbm>>
    tpu.enqueue_indirect_dma source(%dma_start3A_70 : memref<100000x128xf32, #tpu.memory_space<hbm>>) target(%arg6 : memref<80x128xf32, #tpu.memory_space<vmem>>) offsets(%dma_start3A_67 : memref<80xi32, #tpu.memory_space<vmem>>) semaphore(%arg8 : memref<!tpu.dma_semaphore, #tpu.memory_space<semaphore_mem>>)
    %dma_wait3A_71 = arith.constant 400 : i32
    %dma_wait3A_72 = tpu.memref_slice %arg5[%dma_wait3A_71] : memref<800xi32, #tpu.memory_space<vmem>> -> memref<80xi32, #tpu.memory_space<vmem>>
    %dma_wait3A_73 = arith.constant 0 : i32
    %dma_wait3A_74 = arith.constant 0 : i32
    %dma_wait3A_75 = tpu.memref_slice %arg2[%dma_wait3A_73, %dma_wait3A_74] : memref<100000x128xf32, #tpu.memory_space<hbm>> -> memref<100000x128xf32, #tpu.memory_space<hbm>>
    tpu.wait_indirect_dma semaphore(%arg9 : memref<!tpu.dma_semaphore, #tpu.memory_space<semaphore_mem>>) src(%dma_wait3A_75 : memref<100000x128xf32, #tpu.memory_space<hbm>>) dst(%arg7 : memref<80x128xf32, #tpu.memory_space<vmem>>)
    %add3A_76 = arith.constant 400 : i32
    %add3A_77 = arith.addi %mul3A_2, %add3A_76 : i32
    "tpu.region"() ({
      %run_scoped3A = tpu.sem_alloc : memref<!tpu.dma_semaphore, #tpu.memory_space<semaphore_mem>>
      %dma_start3A_121 = arith.constant 0 : i32
      %dma_start3A_122 = tpu.memref_slice %arg4[%add3A_77, %dma_start3A_121] : memref<25600x128xf32, #tpu.memory_space<hbm>> -> memref<80x128xf32, #tpu.memory_space<hbm>>
      %dma_start3A_123 = arith.constant 0 : i32
      %dma_start3A_124 = tpu.memref_slice %arg4[%add3A_77, %dma_start3A_123] : memref<25600x128xf32, #tpu.memory_space<hbm>> -> memref<80x128xf32, #tpu.memory_space<hbm>>
      tpu.enqueue_dma source(%arg7 : memref<80x128xf32, #tpu.memory_space<vmem>>) target(%dma_start3A_124 : memref<80x128xf32, #tpu.memory_space<hbm>>) target_semaphore(%run_scoped3A : memref<!tpu.dma_semaphore, #tpu.memory_space<semaphore_mem>>)
      %dma_wait3A_125 = arith.constant 0 : i32
      %dma_wait3A_126 = tpu.memref_slice %arg4[%add3A_77, %dma_wait3A_125] : memref<25600x128xf32, #tpu.memory_space<hbm>> -> memref<80x128xf32, #tpu.memory_space<hbm>>
      %dma_wait3A_127 = arith.constant 0 : i32
      %dma_wait3A_128 = tpu.memref_slice %arg4[%add3A_77, %dma_wait3A_127] : memref<25600x128xf32, #tpu.memory_space<hbm>> -> memref<80x128xf32, #tpu.memory_space<hbm>>
      tpu.wait_dma2 semaphore(%run_scoped3A : memref<!tpu.dma_semaphore, #tpu.memory_space<semaphore_mem>>) src(%arg7 : memref<80x128xf32, #tpu.memory_space<vmem>>) dst(%dma_wait3A_128 : memref<80x128xf32, #tpu.memory_space<hbm>>)
      tpu.yield
    }) : () -> ()
    %dma_start3A_78 = arith.constant 560 : i32
    %dma_start3A_79 = tpu.memref_slice %arg5[%dma_start3A_78] : memref<800xi32, #tpu.memory_space<vmem>> -> memref<80xi32, #tpu.memory_space<vmem>>
    %dma_start3A_80 = arith.constant 0 : i32
    %dma_start3A_81 = arith.constant 0 : i32
    %dma_start3A_82 = tpu.memref_slice %arg2[%dma_start3A_80, %dma_start3A_81] : memref<100000x128xf32, #tpu.memory_space<hbm>> -> memref<100000x128xf32, #tpu.memory_space<hbm>>
    tpu.enqueue_indirect_dma source(%dma_start3A_82 : memref<100000x128xf32, #tpu.memory_space<hbm>>) target(%arg7 : memref<80x128xf32, #tpu.memory_space<vmem>>) offsets(%dma_start3A_79 : memref<80xi32, #tpu.memory_space<vmem>>) semaphore(%arg9 : memref<!tpu.dma_semaphore, #tpu.memory_space<semaphore_mem>>)
    %dma_wait3A_83 = arith.constant 480 : i32
    %dma_wait3A_84 = tpu.memref_slice %arg5[%dma_wait3A_83] : memref<800xi32, #tpu.memory_space<vmem>> -> memref<80xi32, #tpu.memory_space<vmem>>
    %dma_wait3A_85 = arith.constant 0 : i32
    %dma_wait3A_86 = arith.constant 0 : i32
    %dma_wait3A_87 = tpu.memref_slice %arg2[%dma_wait3A_85, %dma_wait3A_86] : memref<100000x128xf32, #tpu.memory_space<hbm>> -> memref<100000x128xf32, #tpu.memory_space<hbm>>
    tpu.wait_indirect_dma semaphore(%arg8 : memref<!tpu.dma_semaphore, #tpu.memory_space<semaphore_mem>>) src(%dma_wait3A_87 : memref<100000x128xf32, #tpu.memory_space<hbm>>) dst(%arg6 : memref<80x128xf32, #tpu.memory_space<vmem>>)
    %add3A_88 = arith.constant 480 : i32
    %add3A_89 = arith.addi %mul3A_2, %add3A_88 : i32
    "tpu.region"() ({
      %run_scoped3A = tpu.sem_alloc : memref<!tpu.dma_semaphore, #tpu.memory_space<semaphore_mem>>
      %dma_start3A_121 = arith.constant 0 : i32
      %dma_start3A_122 = tpu.memref_slice %arg4[%add3A_89, %dma_start3A_121] : memref<25600x128xf32, #tpu.memory_space<hbm>> -> memref<80x128xf32, #tpu.memory_space<hbm>>
      %dma_start3A_123 = arith.constant 0 : i32
      %dma_start3A_124 = tpu.memref_slice %arg4[%add3A_89, %dma_start3A_123] : memref<25600x128xf32, #tpu.memory_space<hbm>> -> memref<80x128xf32, #tpu.memory_space<hbm>>
      tpu.enqueue_dma source(%arg6 : memref<80x128xf32, #tpu.memory_space<vmem>>) target(%dma_start3A_124 : memref<80x128xf32, #tpu.memory_space<hbm>>) target_semaphore(%run_scoped3A : memref<!tpu.dma_semaphore, #tpu.memory_space<semaphore_mem>>)
      %dma_wait3A_125 = arith.constant 0 : i32
      %dma_wait3A_126 = tpu.memref_slice %arg4[%add3A_89, %dma_wait3A_125] : memref<25600x128xf32, #tpu.memory_space<hbm>> -> memref<80x128xf32, #tpu.memory_space<hbm>>
      %dma_wait3A_127 = arith.constant 0 : i32
      %dma_wait3A_128 = tpu.memref_slice %arg4[%add3A_89, %dma_wait3A_127] : memref<25600x128xf32, #tpu.memory_space<hbm>> -> memref<80x128xf32, #tpu.memory_space<hbm>>
      tpu.wait_dma2 semaphore(%run_scoped3A : memref<!tpu.dma_semaphore, #tpu.memory_space<semaphore_mem>>) src(%arg6 : memref<80x128xf32, #tpu.memory_space<vmem>>) dst(%dma_wait3A_128 : memref<80x128xf32, #tpu.memory_space<hbm>>)
      tpu.yield
    }) : () -> ()
    %dma_start3A_90 = arith.constant 640 : i32
    %dma_start3A_91 = tpu.memref_slice %arg5[%dma_start3A_90] : memref<800xi32, #tpu.memory_space<vmem>> -> memref<80xi32, #tpu.memory_space<vmem>>
    %dma_start3A_92 = arith.constant 0 : i32
    %dma_start3A_93 = arith.constant 0 : i32
    %dma_start3A_94 = tpu.memref_slice %arg2[%dma_start3A_92, %dma_start3A_93] : memref<100000x128xf32, #tpu.memory_space<hbm>> -> memref<100000x128xf32, #tpu.memory_space<hbm>>
    tpu.enqueue_indirect_dma source(%dma_start3A_94 : memref<100000x128xf32, #tpu.memory_space<hbm>>) target(%arg6 : memref<80x128xf32, #tpu.memory_space<vmem>>) offsets(%dma_start3A_91 : memref<80xi32, #tpu.memory_space<vmem>>) semaphore(%arg8 : memref<!tpu.dma_semaphore, #tpu.memory_space<semaphore_mem>>)
    %dma_wait3A_95 = arith.constant 560 : i32
    %dma_wait3A_96 = tpu.memref_slice %arg5[%dma_wait3A_95] : memref<800xi32, #tpu.memory_space<vmem>> -> memref<80xi32, #tpu.memory_space<vmem>>
    %dma_wait3A_97 = arith.constant 0 : i32
    %dma_wait3A_98 = arith.constant 0 : i32
    %dma_wait3A_99 = tpu.memref_slice %arg2[%dma_wait3A_97, %dma_wait3A_98] : memref<100000x128xf32, #tpu.memory_space<hbm>> -> memref<100000x128xf32, #tpu.memory_space<hbm>>
    tpu.wait_indirect_dma semaphore(%arg9 : memref<!tpu.dma_semaphore, #tpu.memory_space<semaphore_mem>>) src(%dma_wait3A_99 : memref<100000x128xf32, #tpu.memory_space<hbm>>) dst(%arg7 : memref<80x128xf32, #tpu.memory_space<vmem>>)
    %add3A_100 = arith.constant 560 : i32
    %add3A_101 = arith.addi %mul3A_2, %add3A_100 : i32
    "tpu.region"() ({
      %run_scoped3A = tpu.sem_alloc : memref<!tpu.dma_semaphore, #tpu.memory_space<semaphore_mem>>
      %dma_start3A_121 = arith.constant 0 : i32
      %dma_start3A_122 = tpu.memref_slice %arg4[%add3A_101, %dma_start3A_121] : memref<25600x128xf32, #tpu.memory_space<hbm>> -> memref<80x128xf32, #tpu.memory_space<hbm>>
      %dma_start3A_123 = arith.constant 0 : i32
      %dma_start3A_124 = tpu.memref_slice %arg4[%add3A_101, %dma_start3A_123] : memref<25600x128xf32, #tpu.memory_space<hbm>> -> memref<80x128xf32, #tpu.memory_space<hbm>>
      tpu.enqueue_dma source(%arg7 : memref<80x128xf32, #tpu.memory_space<vmem>>) target(%dma_start3A_124 : memref<80x128xf32, #tpu.memory_space<hbm>>) target_semaphore(%run_scoped3A : memref<!tpu.dma_semaphore, #tpu.memory_space<semaphore_mem>>)
      %dma_wait3A_125 = arith.constant 0 : i32
      %dma_wait3A_126 = tpu.memref_slice %arg4[%add3A_101, %dma_wait3A_125] : memref<25600x128xf32, #tpu.memory_space<hbm>> -> memref<80x128xf32, #tpu.memory_space<hbm>>
      %dma_wait3A_127 = arith.constant 0 : i32
      %dma_wait3A_128 = tpu.memref_slice %arg4[%add3A_101, %dma_wait3A_127] : memref<25600x128xf32, #tpu.memory_space<hbm>> -> memref<80x128xf32, #tpu.memory_space<hbm>>
      tpu.wait_dma2 semaphore(%run_scoped3A : memref<!tpu.dma_semaphore, #tpu.memory_space<semaphore_mem>>) src(%arg7 : memref<80x128xf32, #tpu.memory_space<vmem>>) dst(%dma_wait3A_128 : memref<80x128xf32, #tpu.memory_space<hbm>>)
      tpu.yield
    }) : () -> ()
    %dma_start3A_102 = arith.constant 720 : i32
    %dma_start3A_103 = tpu.memref_slice %arg5[%dma_start3A_102] : memref<800xi32, #tpu.memory_space<vmem>> -> memref<80xi32, #tpu.memory_space<vmem>>
    %dma_start3A_104 = arith.constant 0 : i32
    %dma_start3A_105 = arith.constant 0 : i32
    %dma_start3A_106 = tpu.memref_slice %arg2[%dma_start3A_104, %dma_start3A_105] : memref<100000x128xf32, #tpu.memory_space<hbm>> -> memref<100000x128xf32, #tpu.memory_space<hbm>>
    tpu.enqueue_indirect_dma source(%dma_start3A_106 : memref<100000x128xf32, #tpu.memory_space<hbm>>) target(%arg7 : memref<80x128xf32, #tpu.memory_space<vmem>>) offsets(%dma_start3A_103 : memref<80xi32, #tpu.memory_space<vmem>>) semaphore(%arg9 : memref<!tpu.dma_semaphore, #tpu.memory_space<semaphore_mem>>)
    %dma_wait3A_107 = arith.constant 640 : i32
    %dma_wait3A_108 = tpu.memref_slice %arg5[%dma_wait3A_107] : memref<800xi32, #tpu.memory_space<vmem>> -> memref<80xi32, #tpu.memory_space<vmem>>
    %dma_wait3A_109 = arith.constant 0 : i32
    %dma_wait3A_110 = arith.constant 0 : i32
    %dma_wait3A_111 = tpu.memref_slice %arg2[%dma_wait3A_109, %dma_wait3A_110] : memref<100000x128xf32, #tpu.memory_space<hbm>> -> memref<100000x128xf32, #tpu.memory_space<hbm>>
    tpu.wait_indirect_dma semaphore(%arg8 : memref<!tpu.dma_semaphore, #tpu.memory_space<semaphore_mem>>) src(%dma_wait3A_111 : memref<100000x128xf32, #tpu.memory_space<hbm>>) dst(%arg6 : memref<80x128xf32, #tpu.memory_space<vmem>>)
    %add3A_112 = arith.constant 640 : i32
    %add3A_113 = arith.addi %mul3A_2, %add3A_112 : i32
    "tpu.region"() ({
      %run_scoped3A = tpu.sem_alloc : memref<!tpu.dma_semaphore, #tpu.memory_space<semaphore_mem>>
      %dma_start3A_121 = arith.constant 0 : i32
      %dma_start3A_122 = tpu.memref_slice %arg4[%add3A_113, %dma_start3A_121] : memref<25600x128xf32, #tpu.memory_space<hbm>> -> memref<80x128xf32, #tpu.memory_space<hbm>>
      %dma_start3A_123 = arith.constant 0 : i32
      %dma_start3A_124 = tpu.memref_slice %arg4[%add3A_113, %dma_start3A_123] : memref<25600x128xf32, #tpu.memory_space<hbm>> -> memref<80x128xf32, #tpu.memory_space<hbm>>
      tpu.enqueue_dma source(%arg6 : memref<80x128xf32, #tpu.memory_space<vmem>>) target(%dma_start3A_124 : memref<80x128xf32, #tpu.memory_space<hbm>>) target_semaphore(%run_scoped3A : memref<!tpu.dma_semaphore, #tpu.memory_space<semaphore_mem>>)
      %dma_wait3A_125 = arith.constant 0 : i32
      %dma_wait3A_126 = tpu.memref_slice %arg4[%add3A_113, %dma_wait3A_125] : memref<25600x128xf32, #tpu.memory_space<hbm>> -> memref<80x128xf32, #tpu.memory_space<hbm>>
      %dma_wait3A_127 = arith.constant 0 : i32
      %dma_wait3A_128 = tpu.memref_slice %arg4[%add3A_113, %dma_wait3A_127] : memref<25600x128xf32, #tpu.memory_space<hbm>> -> memref<80x128xf32, #tpu.memory_space<hbm>>
      tpu.wait_dma2 semaphore(%run_scoped3A : memref<!tpu.dma_semaphore, #tpu.memory_space<semaphore_mem>>) src(%arg6 : memref<80x128xf32, #tpu.memory_space<vmem>>) dst(%dma_wait3A_128 : memref<80x128xf32, #tpu.memory_space<hbm>>)
      tpu.yield
    }) : () -> ()
    %dma_wait3A_114 = arith.constant 720 : i32
    %dma_wait3A_115 = tpu.memref_slice %arg5[%dma_wait3A_114] : memref<800xi32, #tpu.memory_space<vmem>> -> memref<80xi32, #tpu.memory_space<vmem>>
    %dma_wait3A_116 = arith.constant 0 : i32
    %dma_wait3A_117 = arith.constant 0 : i32
    %dma_wait3A_118 = tpu.memref_slice %arg2[%dma_wait3A_116, %dma_wait3A_117] : memref<100000x128xf32, #tpu.memory_space<hbm>> -> memref<100000x128xf32, #tpu.memory_space<hbm>>
    tpu.wait_indirect_dma semaphore(%arg9 : memref<!tpu.dma_semaphore, #tpu.memory_space<semaphore_mem>>) src(%dma_wait3A_118 : memref<100000x128xf32, #tpu.memory_space<hbm>>) dst(%arg7 : memref<80x128xf32, #tpu.memory_space<vmem>>)
    %add3A_119 = arith.constant 720 : i32
    %add3A_120 = arith.addi %mul3A_2, %add3A_119 : i32
    "tpu.region"() ({
      %run_scoped3A = tpu.sem_alloc : memref<!tpu.dma_semaphore, #tpu.memory_space<semaphore_mem>>
      %dma_start3A_121 = arith.constant 0 : i32
      %dma_start3A_122 = tpu.memref_slice %arg4[%add3A_120, %dma_start3A_121] : memref<25600x128xf32, #tpu.memory_space<hbm>> -> memref<80x128xf32, #tpu.memory_space<hbm>>
      %dma_start3A_123 = arith.constant 0 : i32
      %dma_start3A_124 = tpu.memref_slice %arg4[%add3A_120, %dma_start3A_123] : memref<25600x128xf32, #tpu.memory_space<hbm>> -> memref<80x128xf32, #tpu.memory_space<hbm>>
      tpu.enqueue_dma source(%arg7 : memref<80x128xf32, #tpu.memory_space<vmem>>) target(%dma_start3A_124 : memref<80x128xf32, #tpu.memory_space<hbm>>) target_semaphore(%run_scoped3A : memref<!tpu.dma_semaphore, #tpu.memory_space<semaphore_mem>>)
      %dma_wait3A_125 = arith.constant 0 : i32
      %dma_wait3A_126 = tpu.memref_slice %arg4[%add3A_120, %dma_wait3A_125] : memref<25600x128xf32, #tpu.memory_space<hbm>> -> memref<80x128xf32, #tpu.memory_space<hbm>>
      %dma_wait3A_127 = arith.constant 0 : i32
      %dma_wait3A_128 = tpu.memref_slice %arg4[%add3A_120, %dma_wait3A_127] : memref<25600x128xf32, #tpu.memory_space<hbm>> -> memref<80x128xf32, #tpu.memory_space<hbm>>
      tpu.wait_dma2 semaphore(%run_scoped3A : memref<!tpu.dma_semaphore, #tpu.memory_space<semaphore_mem>>) src(%arg7 : memref<80x128xf32, #tpu.memory_space<vmem>>) dst(%dma_wait3A_128 : memref<80x128xf32, #tpu.memory_space<hbm>>)
      tpu.yield
    }) : () -> ()
    return
  }
}

module attributes {stable_mosaic.version = 14 : i64} {
  func.func @body(%arg0: i32, %arg1: memref<1x1024x128xf32, #tpu.memory_space<vmem>>, %arg2: memref<1x1024x128xf32, #tpu.memory_space<vmem>>, %arg3: memref<1024x256xf32, #tpu.memory_space<vmem>>, %arg4: memref<1024x256xf32, #tpu.memory_space<vmem>>, %arg5: memref<128x1024xbf16, #tpu.memory_space<vmem>>, %arg6: memref<256x1024xbf16, #tpu.memory_space<vmem>>, %arg7: memref<8x1024xf32, #tpu.memory_space<vmem>>, %arg8: memref<256x256xf32, #tpu.memory_space<vmem>>, %arg9: memref<8x256xf32, #tpu.memory_space<vmem>>, %arg10: memref<256x128xf32, #tpu.memory_space<vmem>>, %arg11: memref<8x128xf32, #tpu.memory_space<vmem>>, %arg12: memref<1024x256xf32, #tpu.memory_space<vmem>>, %arg13: memref<1024x256xf32, #tpu.memory_space<vmem>>, %arg14: memref<1024x256xf32, #tpu.memory_space<vmem>>, %arg15: memref<1024x256xf32, #tpu.memory_space<vmem>>, %arg16: memref<1024x1024xf32, #tpu.memory_space<vmem>>) attributes {dimension_semantics = [#tpu.dimension_semantics<arbitrary>], iteration_bounds = array<i64: 25>, scalar_prefetch = 0 : i64, scratch_operands = 3 : i64, tpu.core_type = #tpu.core_type<tc>, window_params = [{transform_indices = @transform_0, window_bounds = array<i64: 1, 1024, 128>}, {pipeline_mode = #tpu.pipeline_mode<synchronous>, transform_indices = @transform_1, window_bounds = array<i64: 1, 1024, 128>}, {pipeline_mode = #tpu.pipeline_mode<synchronous>, transform_indices = @transform_2, window_bounds = array<i64: 1024, 256>}, {pipeline_mode = #tpu.pipeline_mode<synchronous>, transform_indices = @transform_3, window_bounds = array<i64: 1024, 256>}, {pipeline_mode = #tpu.pipeline_mode<synchronous>, transform_indices = @transform_4, window_bounds = array<i64: 128, 1024>}, {pipeline_mode = #tpu.pipeline_mode<synchronous>, transform_indices = @transform_5, window_bounds = array<i64: 256, 1024>}, {pipeline_mode = #tpu.pipeline_mode<synchronous>, transform_indices = @transform_6, window_bounds = array<i64: 8, 1024>}, {pipeline_mode = #tpu.pipeline_mode<synchronous>, transform_indices = @transform_7, window_bounds = array<i64: 256, 256>}, {pipeline_mode = #tpu.pipeline_mode<synchronous>, transform_indices = @transform_8, window_bounds = array<i64: 8, 256>}, {pipeline_mode = #tpu.pipeline_mode<synchronous>, transform_indices = @transform_9, window_bounds = array<i64: 256, 128>}, {pipeline_mode = #tpu.pipeline_mode<synchronous>, transform_indices = @transform_10, window_bounds = array<i64: 8, 128>}, {pipeline_mode = #tpu.pipeline_mode<synchronous>, transform_indices = @transform_11, window_bounds = array<i64: 1024, 256>}, {pipeline_mode = #tpu.pipeline_mode<synchronous>, transform_indices = @transform_12, window_bounds = array<i64: 1024, 256>}]} {
    %eq3A = arith.constant 0 : i32
    %eq3A_0 = arith.cmpi eq, %arg0, %eq3A : i32
    %convert_element_type3A = arith.extui %eq3A_0 : i1 to i32
    %cond3A = arith.constant 0 : i32
    %cond3A_1 = arith.cmpi ne, %convert_element_type3A, %cond3A : i32
    scf.if %cond3A_1 {
      %get3A_64 = arith.constant 0 : index
      %get3A_65 = arith.constant 0 : index
      %get3A_66 = vector.load %arg3[%get3A_64, %get3A_65] : memref<1024x256xf32, #tpu.memory_space<vmem>>, vector<1024x256xf32>
      %swap3A_67 = arith.constant 0 : index
      %swap3A_68 = arith.constant 0 : index
      %swap3A_69 = vector.load %arg14[%swap3A_67, %swap3A_68] : memref<1024x256xf32, #tpu.memory_space<vmem>>, vector<1024x256xf32>
      tpu.vector_store %arg14[%swap3A_67, %swap3A_68], %get3A_66 {strides = array<i32>} : memref<1024x256xf32, #tpu.memory_space<vmem>>, vector<1024x256xf32>,
      %get3A_70 = arith.constant 0 : index
      %get3A_71 = arith.constant 0 : index
      %get3A_72 = vector.load %arg4[%get3A_70, %get3A_71] : memref<1024x256xf32, #tpu.memory_space<vmem>>, vector<1024x256xf32>
      %swap3A_73 = arith.constant 0 : index
      %swap3A_74 = arith.constant 0 : index
      %swap3A_75 = vector.load %arg15[%swap3A_73, %swap3A_74] : memref<1024x256xf32, #tpu.memory_space<vmem>>, vector<1024x256xf32>
      tpu.vector_store %arg15[%swap3A_73, %swap3A_74], %get3A_72 {strides = array<i32>} : memref<1024x256xf32, #tpu.memory_space<vmem>>, vector<1024x256xf32>,
      %get3A_76 = arith.constant 0 : index
      %get3A_77 = arith.constant 0 : index
      %get3A_78 = arith.constant 0 : index
      %get3A_79 = vector.load %arg2[%get3A_76, %get3A_77, %get3A_78] : memref<1x1024x128xf32, #tpu.memory_space<vmem>>, vector<1x1024x128xf32>
      %get3A_80 = vector.shape_cast %get3A_79 : vector<1x1024x128xf32> to vector<1024x128xf32>
      %convert_element_type3A_81 = arith.truncf %get3A_80 : vector<1024x128xf32> to vector<1024x128xbf16>
      %get3A_82 = arith.constant 0 : index
      %get3A_83 = arith.constant 0 : index
      %get3A_84 = vector.load %arg5[%get3A_82, %get3A_83] : memref<128x1024xbf16, #tpu.memory_space<vmem>>, vector<128x1024xbf16>
      %dot_general3A_85 = arith.constant dense<0.000000e+00> : vector<1024x1024xf32>
      %dot_general3A_86 = tpu.matmul %convert_element_type3A_81, %get3A_84, %dot_general3A_85 {dimension_numbers = #tpu.dot_dimension_numbers<[1], [0], [0], [1], [0, 0, 1, 1], [], []>, transpose_lhs_hint = false} : vector<1024x128xbf16>, vector<128x1024xbf16>, vector<1024x1024xf32> -> vector<1024x1024xf32>
      %swap3A_87 = arith.constant 0 : index
      %swap3A_88 = arith.constant 0 : index
      %swap3A_89 = vector.load %arg16[%swap3A_87, %swap3A_88] : memref<1024x1024xf32, #tpu.memory_space<vmem>>, vector<1024x1024xf32>
      tpu.vector_store %arg16[%swap3A_87, %swap3A_88], %dot_general3A_86 {strides = array<i32>} : memref<1024x1024xf32, #tpu.memory_space<vmem>>, vector<1024x1024xf32>,
    } else {
    }
    %get3A = arith.constant 0 : index
    %get3A_2 = arith.constant 0 : index
    %get3A_3 = vector.load %arg16[%get3A, %get3A_2] : memref<1024x1024xf32, #tpu.memory_space<vmem>>, vector<1024x1024xf32>
    %get3A_4 = arith.constant 0 : index
    %get3A_5 = arith.constant 0 : index
    %get3A_6 = vector.load %arg14[%get3A_4, %get3A_5] : memref<1024x256xf32, #tpu.memory_space<vmem>>, vector<1024x256xf32>
    %convert_element_type3A_7 = arith.truncf %get3A_6 : vector<1024x256xf32> to vector<1024x256xbf16>
    %get3A_8 = arith.constant 0 : index
    %get3A_9 = arith.constant 0 : index
    %get3A_10 = vector.load %arg6[%get3A_8, %get3A_9] : memref<256x1024xbf16, #tpu.memory_space<vmem>>, vector<256x1024xbf16>
    %dot_general3A = arith.constant dense<0.000000e+00> : vector<1024x1024xf32>
    %dot_general3A_11 = tpu.matmul %convert_element_type3A_7, %get3A_10, %dot_general3A {dimension_numbers = #tpu.dot_dimension_numbers<[1], [0], [0], [1], [0, 0, 1, 1], [], []>, transpose_lhs_hint = false} : vector<1024x256xbf16>, vector<256x1024xbf16>, vector<1024x1024xf32> -> vector<1024x1024xf32>
    %add3A = arith.addf %get3A_3, %dot_general3A_11 : vector<1024x1024xf32>
    %get3A_12 = arith.constant 0 : index
    %get3A_13 = arith.constant 0 : index
    %get3A_14 = vector.load %arg7[%get3A_12, %get3A_13] : memref<8x1024xf32, #tpu.memory_space<vmem>>, vector<1x1024xf32>
    %add3A_15 = vector.broadcast %get3A_14 : vector<1x1024xf32> to vector<1024x1024xf32>
    %add3A_16 = arith.addf %add3A, %add3A_15 : vector<1024x1024xf32>
    %slice3A = vector.extract_strided_slice %add3A_16 {offsets = [0, 0], sizes = [1024, 768], strides = [1, 1]} : vector<1024x1024xf32> to vector<1024x768xf32>
    %tanh3A = math.tanh %slice3A : vector<1024x768xf32>
    %slice3A_17 = vector.extract_strided_slice %tanh3A {offsets = [0, 0], sizes = [1024, 256], strides = [1, 1]} : vector<1024x768xf32> to vector<1024x256xf32>
    %slice3A_18 = vector.extract_strided_slice %tanh3A {offsets = [0, 256], sizes = [1024, 256], strides = [1, 1]} : vector<1024x768xf32> to vector<1024x256xf32>
    %slice3A_19 = vector.extract_strided_slice %tanh3A {offsets = [0, 512], sizes = [1024, 256], strides = [1, 1]} : vector<1024x768xf32> to vector<1024x256xf32>
    %slice3A_20 = vector.extract_strided_slice %add3A_16 {offsets = [0, 768], sizes = [1024, 256], strides = [1, 1]} : vector<1024x1024xf32> to vector<1024x256xf32>
    %tanh3A_21 = math.tanh %slice3A_20 : vector<1024x256xf32>
    %get3A_22 = arith.constant 0 : index
    %get3A_23 = arith.constant 0 : index
    %get3A_24 = vector.load %arg15[%get3A_22, %get3A_23] : memref<1024x256xf32, #tpu.memory_space<vmem>>, vector<1024x256xf32>
    %mul3A = arith.mulf %slice3A_18, %get3A_24 : vector<1024x256xf32>
    %add3A_25 = arith.addf %mul3A, %get3A_24 : vector<1024x256xf32>
    %mul3A_26 = arith.mulf %slice3A_17, %tanh3A_21 : vector<1024x256xf32>
    %add3A_27 = arith.addf %add3A_25, %mul3A_26 : vector<1024x256xf32>
    %add3A_28 = arith.addf %add3A_27, %tanh3A_21 : vector<1024x256xf32>
    %mul3A_29 = arith.constant 5.000000e-01 : f32
    %mul3A_30 = vector.broadcast %mul3A_29 : f32 to vector<1024x256xf32>
    %mul3A_31 = arith.mulf %mul3A_30, %add3A_28 : vector<1024x256xf32>
    %add3A_32 = arith.constant 1.000000e+00 : f32
    %add3A_33 = vector.broadcast %add3A_32 : f32 to vector<1024x256xf32>
    %add3A_34 = arith.addf %slice3A_19, %add3A_33 : vector<1024x256xf32>
    %mul3A_35 = arith.constant 5.000000e-01 : f32
    %mul3A_36 = vector.broadcast %mul3A_35 : f32 to vector<1024x256xf32>
    %mul3A_37 = arith.mulf %mul3A_36, %add3A_34 : vector<1024x256xf32>
    %tanh3A_38 = math.tanh %mul3A_31 : vector<1024x256xf32>
    %mul3A_39 = arith.mulf %mul3A_37, %tanh3A_38 : vector<1024x256xf32>
    %swap3A = arith.constant 0 : index
    %swap3A_40 = arith.constant 0 : index
    %swap3A_41 = vector.load %arg15[%swap3A, %swap3A_40] : memref<1024x256xf32, #tpu.memory_space<vmem>>, vector<1024x256xf32>
    tpu.vector_store %arg15[%swap3A, %swap3A_40], %mul3A_31 {strides = array<i32>} : memref<1024x256xf32, #tpu.memory_space<vmem>>, vector<1024x256xf32>,
    %swap3A_42 = arith.constant 0 : index
    %swap3A_43 = arith.constant 0 : index
    %swap3A_44 = vector.load %arg14[%swap3A_42, %swap3A_43] : memref<1024x256xf32, #tpu.memory_space<vmem>>, vector<1024x256xf32>
    tpu.vector_store %arg14[%swap3A_42, %swap3A_43], %mul3A_39 {strides = array<i32>} : memref<1024x256xf32, #tpu.memory_space<vmem>>, vector<1024x256xf32>,
    %get3A_45 = arith.constant 0 : index
    %get3A_46 = arith.constant 0 : index
    %get3A_47 = arith.constant 0 : index
    %get3A_48 = vector.load %arg1[%get3A_45, %get3A_46, %get3A_47] : memref<1x1024x128xf32, #tpu.memory_space<vmem>>, vector<1x1024x128xf32>
    %get3A_49 = vector.shape_cast %get3A_48 : vector<1x1024x128xf32> to vector<1024x128xf32>
    %convert_element_type3A_50 = arith.truncf %get3A_49 : vector<1024x128xf32> to vector<1024x128xbf16>
    %get3A_51 = arith.constant 0 : index
    %get3A_52 = arith.constant 0 : index
    %get3A_53 = vector.load %arg5[%get3A_51, %get3A_52] : memref<128x1024xbf16, #tpu.memory_space<vmem>>, vector<128x1024xbf16>
    %dot_general3A_54 = arith.constant dense<0.000000e+00> : vector<1024x1024xf32>
    %dot_general3A_55 = tpu.matmul %convert_element_type3A_50, %get3A_53, %dot_general3A_54 {dimension_numbers = #tpu.dot_dimension_numbers<[1], [0], [0], [1], [0, 0, 1, 1], [], []>, transpose_lhs_hint = false} : vector<1024x128xbf16>, vector<128x1024xbf16>, vector<1024x1024xf32> -> vector<1024x1024xf32>
    %swap3A_56 = arith.constant 0 : index
    %swap3A_57 = arith.constant 0 : index
    %swap3A_58 = vector.load %arg16[%swap3A_56, %swap3A_57] : memref<1024x1024xf32, #tpu.memory_space<vmem>>, vector<1024x1024xf32>
    tpu.vector_store %arg16[%swap3A_56, %swap3A_57], %dot_general3A_55 {strides = array<i32>} : memref<1024x1024xf32, #tpu.memory_space<vmem>>, vector<1024x1024xf32>,
    %eq3A_59 = arith.constant 24 : i32
    %eq3A_60 = arith.cmpi eq, %arg0, %eq3A_59 : i32
    %convert_element_type3A_61 = arith.extui %eq3A_60 : i1 to i32
    %cond3A_62 = arith.constant 0 : i32
    %cond3A_63 = arith.cmpi ne, %convert_element_type3A_61, %cond3A_62 : i32
    scf.if %cond3A_63 {
      %swap3A_64 = arith.constant 0 : index
      %swap3A_65 = arith.constant 0 : index
      %swap3A_66 = vector.load %arg12[%swap3A_64, %swap3A_65] : memref<1024x256xf32, #tpu.memory_space<vmem>>, vector<1024x256xf32>
      tpu.vector_store %arg12[%swap3A_64, %swap3A_65], %mul3A_39 {strides = array<i32>} : memref<1024x256xf32, #tpu.memory_space<vmem>>, vector<1024x256xf32>,
      %swap3A_67 = arith.constant 0 : index
      %swap3A_68 = arith.constant 0 : index
      %swap3A_69 = vector.load %arg13[%swap3A_67, %swap3A_68] : memref<1024x256xf32, #tpu.memory_space<vmem>>, vector<1024x256xf32>
      tpu.vector_store %arg13[%swap3A_67, %swap3A_68], %mul3A_31 {strides = array<i32>} : memref<1024x256xf32, #tpu.memory_space<vmem>>, vector<1024x256xf32>,
    } else {
    }
    return
  }
  func.func @transform_0(%arg0: i32) -> (i32, i32, i32) {
    %add3A = arith.constant 1 : i32
    %add3A_0 = arith.addi %arg0, %add3A : i32
    %min3A = arith.constant 24 : i32
    %min3A_1 = arith.minsi %add3A_0, %min3A : i32
    %c0_i32 = arith.constant 0 : i32
    %c0_i32_2 = arith.constant 0 : i32
    %c0_i32_3 = arith.constant 0 : i32
    return %min3A_1, %c0_i32, %c0_i32_2 : i32, i32, i32
  }
  func.func @transform_1(%arg0: i32) -> (i32, i32, i32) {
    %c0_i32 = arith.constant 0 : i32
    %c0_i32_0 = arith.constant 0 : i32
    %c0_i32_1 = arith.constant 0 : i32
    %c0_i32_2 = arith.constant 0 : i32
    return %c0_i32, %c0_i32_0, %c0_i32_1 : i32, i32, i32
  }
  func.func @transform_2(%arg0: i32) -> (i32, i32) {
    %c0_i32 = arith.constant 0 : i32
    %c0_i32_0 = arith.constant 0 : i32
    %c0_i32_1 = arith.constant 0 : i32
    return %c0_i32, %c0_i32_0 : i32, i32
  }
  func.func @transform_3(%arg0: i32) -> (i32, i32) {
    %c0_i32 = arith.constant 0 : i32
    %c0_i32_0 = arith.constant 0 : i32
    %c0_i32_1 = arith.constant 0 : i32
    return %c0_i32, %c0_i32_0 : i32, i32
  }
  func.func @transform_4(%arg0: i32) -> (i32, i32) {
    %c0_i32 = arith.constant 0 : i32
    %c0_i32_0 = arith.constant 0 : i32
    %c0_i32_1 = arith.constant 0 : i32
    return %c0_i32, %c0_i32_0 : i32, i32
  }
  func.func @transform_5(%arg0: i32) -> (i32, i32) {
    %c0_i32 = arith.constant 0 : i32
    %c0_i32_0 = arith.constant 0 : i32
    %c0_i32_1 = arith.constant 0 : i32
    return %c0_i32, %c0_i32_0 : i32, i32
  }
  func.func @transform_6(%arg0: i32) -> (i32, i32) {
    %c0_i32 = arith.constant 0 : i32
    %c0_i32_0 = arith.constant 0 : i32
    %c0_i32_1 = arith.constant 0 : i32
    return %c0_i32, %c0_i32_0 : i32, i32
  }
  func.func @transform_7(%arg0: i32) -> (i32, i32) {
    %c0_i32 = arith.constant 0 : i32
    %c0_i32_0 = arith.constant 0 : i32
    %c0_i32_1 = arith.constant 0 : i32
    return %c0_i32, %c0_i32_0 : i32, i32
  }
  func.func @transform_8(%arg0: i32) -> (i32, i32) {
    %c0_i32 = arith.constant 0 : i32
    %c0_i32_0 = arith.constant 0 : i32
    %c0_i32_1 = arith.constant 0 : i32
    return %c0_i32, %c0_i32_0 : i32, i32
  }
  func.func @transform_9(%arg0: i32) -> (i32, i32) {
    %c0_i32 = arith.constant 0 : i32
    %c0_i32_0 = arith.constant 0 : i32
    %c0_i32_1 = arith.constant 0 : i32
    return %c0_i32, %c0_i32_0 : i32, i32
  }
  func.func @transform_10(%arg0: i32) -> (i32, i32) {
    %c0_i32 = arith.constant 0 : i32
    %c0_i32_0 = arith.constant 0 : i32
    %c0_i32_1 = arith.constant 0 : i32
    return %c0_i32, %c0_i32_0 : i32, i32
  }
  func.func @transform_11(%arg0: i32) -> (i32, i32) {
    %c0_i32 = arith.constant 0 : i32
    %c0_i32_0 = arith.constant 0 : i32
    %c0_i32_1 = arith.constant 0 : i32
    return %c0_i32, %c0_i32_0 : i32, i32
  }
  func.func @transform_12(%arg0: i32) -> (i32, i32) {
    %c0_i32 = arith.constant 0 : i32
    %c0_i32_0 = arith.constant 0 : i32
    %c0_i32_1 = arith.constant 0 : i32
    return %c0_i32, %c0_i32_0 : i32, i32
  }
}

module attributes {stable_mosaic.version = 14 : i64} {
  func.func @body(%arg0: i32, %arg1: memref<1x1024x128xf32, #tpu.memory_space<vmem>>, %arg2: memref<1x1024x128xf32, #tpu.memory_space<vmem>>, %arg3: memref<1024x256xf32, #tpu.memory_space<vmem>>, %arg4: memref<1024x256xf32, #tpu.memory_space<vmem>>, %arg5: memref<128x1024xbf16, #tpu.memory_space<vmem>>, %arg6: memref<256x1024xbf16, #tpu.memory_space<vmem>>, %arg7: memref<8x1024xf32, #tpu.memory_space<vmem>>, %arg8: memref<256x256xf32, #tpu.memory_space<vmem>>, %arg9: memref<8x256xf32, #tpu.memory_space<vmem>>, %arg10: memref<256x128xf32, #tpu.memory_space<vmem>>, %arg11: memref<8x128xf32, #tpu.memory_space<vmem>>, %arg12: memref<1024x128xf32, #tpu.memory_space<vmem>>, %arg13: memref<1024x256xf32, #tpu.memory_space<vmem>>, %arg14: memref<1024x256xf32, #tpu.memory_space<vmem>>, %arg15: memref<1024x1024xf32, #tpu.memory_space<vmem>>) attributes {dimension_semantics = [#tpu.dimension_semantics<arbitrary>], iteration_bounds = array<i64: 25>, scalar_prefetch = 0 : i64, scratch_operands = 3 : i64, tpu.core_type = #tpu.core_type<tc>, window_params = [{transform_indices = @transform_0, window_bounds = array<i64: 1, 1024, 128>}, {pipeline_mode = #tpu.pipeline_mode<synchronous>, transform_indices = @transform_1, window_bounds = array<i64: 1, 1024, 128>}, {pipeline_mode = #tpu.pipeline_mode<synchronous>, transform_indices = @transform_2, window_bounds = array<i64: 1024, 256>}, {pipeline_mode = #tpu.pipeline_mode<synchronous>, transform_indices = @transform_3, window_bounds = array<i64: 1024, 256>}, {pipeline_mode = #tpu.pipeline_mode<synchronous>, transform_indices = @transform_4, window_bounds = array<i64: 128, 1024>}, {pipeline_mode = #tpu.pipeline_mode<synchronous>, transform_indices = @transform_5, window_bounds = array<i64: 256, 1024>}, {pipeline_mode = #tpu.pipeline_mode<synchronous>, transform_indices = @transform_6, window_bounds = array<i64: 8, 1024>}, {pipeline_mode = #tpu.pipeline_mode<synchronous>, transform_indices = @transform_7, window_bounds = array<i64: 256, 256>}, {pipeline_mode = #tpu.pipeline_mode<synchronous>, transform_indices = @transform_8, window_bounds = array<i64: 8, 256>}, {pipeline_mode = #tpu.pipeline_mode<synchronous>, transform_indices = @transform_9, window_bounds = array<i64: 256, 128>}, {pipeline_mode = #tpu.pipeline_mode<synchronous>, transform_indices = @transform_10, window_bounds = array<i64: 8, 128>}, {pipeline_mode = #tpu.pipeline_mode<synchronous>, transform_indices = @transform_11, window_bounds = array<i64: 1024, 128>}]} {
    %eq3A = arith.constant 0 : i32
    %eq3A_0 = arith.cmpi eq, %arg0, %eq3A : i32
    %convert_element_type3A = arith.extui %eq3A_0 : i1 to i32
    %cond3A = arith.constant 0 : i32
    %cond3A_1 = arith.cmpi ne, %convert_element_type3A, %cond3A : i32
    scf.if %cond3A_1 {
      %get3A_64 = arith.constant 0 : index
      %get3A_65 = arith.constant 0 : index
      %get3A_66 = vector.load %arg3[%get3A_64, %get3A_65] : memref<1024x256xf32, #tpu.memory_space<vmem>>, vector<1024x256xf32>
      %swap3A_67 = arith.constant 0 : index
      %swap3A_68 = arith.constant 0 : index
      %swap3A_69 = vector.load %arg13[%swap3A_67, %swap3A_68] : memref<1024x256xf32, #tpu.memory_space<vmem>>, vector<1024x256xf32>
      tpu.vector_store %arg13[%swap3A_67, %swap3A_68], %get3A_66 {strides = array<i32>} : memref<1024x256xf32, #tpu.memory_space<vmem>>, vector<1024x256xf32>,
      %get3A_70 = arith.constant 0 : index
      %get3A_71 = arith.constant 0 : index
      %get3A_72 = vector.load %arg4[%get3A_70, %get3A_71] : memref<1024x256xf32, #tpu.memory_space<vmem>>, vector<1024x256xf32>
      %swap3A_73 = arith.constant 0 : index
      %swap3A_74 = arith.constant 0 : index
      %swap3A_75 = vector.load %arg14[%swap3A_73, %swap3A_74] : memref<1024x256xf32, #tpu.memory_space<vmem>>, vector<1024x256xf32>
      tpu.vector_store %arg14[%swap3A_73, %swap3A_74], %get3A_72 {strides = array<i32>} : memref<1024x256xf32, #tpu.memory_space<vmem>>, vector<1024x256xf32>,
      %get3A_76 = arith.constant 0 : index
      %get3A_77 = arith.constant 0 : index
      %get3A_78 = arith.constant 0 : index
      %get3A_79 = vector.load %arg2[%get3A_76, %get3A_77, %get3A_78] : memref<1x1024x128xf32, #tpu.memory_space<vmem>>, vector<1x1024x128xf32>
      %get3A_80 = vector.shape_cast %get3A_79 : vector<1x1024x128xf32> to vector<1024x128xf32>
      %convert_element_type3A_81 = arith.truncf %get3A_80 : vector<1024x128xf32> to vector<1024x128xbf16>
      %get3A_82 = arith.constant 0 : index
      %get3A_83 = arith.constant 0 : index
      %get3A_84 = vector.load %arg5[%get3A_82, %get3A_83] : memref<128x1024xbf16, #tpu.memory_space<vmem>>, vector<128x1024xbf16>
      %dot_general3A_85 = arith.constant dense<0.000000e+00> : vector<1024x1024xf32>
      %dot_general3A_86 = tpu.matmul %convert_element_type3A_81, %get3A_84, %dot_general3A_85 {dimension_numbers = #tpu.dot_dimension_numbers<[1], [0], [0], [1], [0, 0, 1, 1], [], []>, transpose_lhs_hint = false} : vector<1024x128xbf16>, vector<128x1024xbf16>, vector<1024x1024xf32> -> vector<1024x1024xf32>
      %swap3A_87 = arith.constant 0 : index
      %swap3A_88 = arith.constant 0 : index
      %swap3A_89 = vector.load %arg15[%swap3A_87, %swap3A_88] : memref<1024x1024xf32, #tpu.memory_space<vmem>>, vector<1024x1024xf32>
      tpu.vector_store %arg15[%swap3A_87, %swap3A_88], %dot_general3A_86 {strides = array<i32>} : memref<1024x1024xf32, #tpu.memory_space<vmem>>, vector<1024x1024xf32>,
    } else {
    }
    %get3A = arith.constant 0 : index
    %get3A_2 = arith.constant 0 : index
    %get3A_3 = vector.load %arg15[%get3A, %get3A_2] : memref<1024x1024xf32, #tpu.memory_space<vmem>>, vector<1024x1024xf32>
    %get3A_4 = arith.constant 0 : index
    %get3A_5 = arith.constant 0 : index
    %get3A_6 = vector.load %arg13[%get3A_4, %get3A_5] : memref<1024x256xf32, #tpu.memory_space<vmem>>, vector<1024x256xf32>
    %convert_element_type3A_7 = arith.truncf %get3A_6 : vector<1024x256xf32> to vector<1024x256xbf16>
    %get3A_8 = arith.constant 0 : index
    %get3A_9 = arith.constant 0 : index
    %get3A_10 = vector.load %arg6[%get3A_8, %get3A_9] : memref<256x1024xbf16, #tpu.memory_space<vmem>>, vector<256x1024xbf16>
    %dot_general3A = arith.constant dense<0.000000e+00> : vector<1024x1024xf32>
    %dot_general3A_11 = tpu.matmul %convert_element_type3A_7, %get3A_10, %dot_general3A {dimension_numbers = #tpu.dot_dimension_numbers<[1], [0], [0], [1], [0, 0, 1, 1], [], []>, transpose_lhs_hint = false} : vector<1024x256xbf16>, vector<256x1024xbf16>, vector<1024x1024xf32> -> vector<1024x1024xf32>
    %add3A = arith.addf %get3A_3, %dot_general3A_11 : vector<1024x1024xf32>
    %get3A_12 = arith.constant 0 : index
    %get3A_13 = arith.constant 0 : index
    %get3A_14 = vector.load %arg7[%get3A_12, %get3A_13] : memref<8x1024xf32, #tpu.memory_space<vmem>>, vector<1x1024xf32>
    %add3A_15 = vector.broadcast %get3A_14 : vector<1x1024xf32> to vector<1024x1024xf32>
    %add3A_16 = arith.addf %add3A, %add3A_15 : vector<1024x1024xf32>
    %slice3A = vector.extract_strided_slice %add3A_16 {offsets = [0, 0], sizes = [1024, 768], strides = [1, 1]} : vector<1024x1024xf32> to vector<1024x768xf32>
    %tanh3A = math.tanh %slice3A : vector<1024x768xf32>
    %slice3A_17 = vector.extract_strided_slice %tanh3A {offsets = [0, 0], sizes = [1024, 256], strides = [1, 1]} : vector<1024x768xf32> to vector<1024x256xf32>
    %slice3A_18 = vector.extract_strided_slice %tanh3A {offsets = [0, 256], sizes = [1024, 256], strides = [1, 1]} : vector<1024x768xf32> to vector<1024x256xf32>
    %slice3A_19 = vector.extract_strided_slice %tanh3A {offsets = [0, 512], sizes = [1024, 256], strides = [1, 1]} : vector<1024x768xf32> to vector<1024x256xf32>
    %slice3A_20 = vector.extract_strided_slice %add3A_16 {offsets = [0, 768], sizes = [1024, 256], strides = [1, 1]} : vector<1024x1024xf32> to vector<1024x256xf32>
    %tanh3A_21 = math.tanh %slice3A_20 : vector<1024x256xf32>
    %get3A_22 = arith.constant 0 : index
    %get3A_23 = arith.constant 0 : index
    %get3A_24 = vector.load %arg14[%get3A_22, %get3A_23] : memref<1024x256xf32, #tpu.memory_space<vmem>>, vector<1024x256xf32>
    %mul3A = arith.mulf %slice3A_18, %get3A_24 : vector<1024x256xf32>
    %add3A_25 = arith.addf %mul3A, %get3A_24 : vector<1024x256xf32>
    %mul3A_26 = arith.mulf %slice3A_17, %tanh3A_21 : vector<1024x256xf32>
    %add3A_27 = arith.addf %add3A_25, %mul3A_26 : vector<1024x256xf32>
    %add3A_28 = arith.addf %add3A_27, %tanh3A_21 : vector<1024x256xf32>
    %mul3A_29 = arith.constant 5.000000e-01 : f32
    %mul3A_30 = vector.broadcast %mul3A_29 : f32 to vector<1024x256xf32>
    %mul3A_31 = arith.mulf %mul3A_30, %add3A_28 : vector<1024x256xf32>
    %add3A_32 = arith.constant 1.000000e+00 : f32
    %add3A_33 = vector.broadcast %add3A_32 : f32 to vector<1024x256xf32>
    %add3A_34 = arith.addf %slice3A_19, %add3A_33 : vector<1024x256xf32>
    %mul3A_35 = arith.constant 5.000000e-01 : f32
    %mul3A_36 = vector.broadcast %mul3A_35 : f32 to vector<1024x256xf32>
    %mul3A_37 = arith.mulf %mul3A_36, %add3A_34 : vector<1024x256xf32>
    %tanh3A_38 = math.tanh %mul3A_31 : vector<1024x256xf32>
    %mul3A_39 = arith.mulf %mul3A_37, %tanh3A_38 : vector<1024x256xf32>
    %swap3A = arith.constant 0 : index
    %swap3A_40 = arith.constant 0 : index
    %swap3A_41 = vector.load %arg14[%swap3A, %swap3A_40] : memref<1024x256xf32, #tpu.memory_space<vmem>>, vector<1024x256xf32>
    tpu.vector_store %arg14[%swap3A, %swap3A_40], %mul3A_31 {strides = array<i32>} : memref<1024x256xf32, #tpu.memory_space<vmem>>, vector<1024x256xf32>,
    %swap3A_42 = arith.constant 0 : index
    %swap3A_43 = arith.constant 0 : index
    %swap3A_44 = vector.load %arg13[%swap3A_42, %swap3A_43] : memref<1024x256xf32, #tpu.memory_space<vmem>>, vector<1024x256xf32>
    tpu.vector_store %arg13[%swap3A_42, %swap3A_43], %mul3A_39 {strides = array<i32>} : memref<1024x256xf32, #tpu.memory_space<vmem>>, vector<1024x256xf32>,
    %get3A_45 = arith.constant 0 : index
    %get3A_46 = arith.constant 0 : index
    %get3A_47 = arith.constant 0 : index
    %get3A_48 = vector.load %arg1[%get3A_45, %get3A_46, %get3A_47] : memref<1x1024x128xf32, #tpu.memory_space<vmem>>, vector<1x1024x128xf32>
    %get3A_49 = vector.shape_cast %get3A_48 : vector<1x1024x128xf32> to vector<1024x128xf32>
    %convert_element_type3A_50 = arith.truncf %get3A_49 : vector<1024x128xf32> to vector<1024x128xbf16>
    %get3A_51 = arith.constant 0 : index
    %get3A_52 = arith.constant 0 : index
    %get3A_53 = vector.load %arg5[%get3A_51, %get3A_52] : memref<128x1024xbf16, #tpu.memory_space<vmem>>, vector<128x1024xbf16>
    %dot_general3A_54 = arith.constant dense<0.000000e+00> : vector<1024x1024xf32>
    %dot_general3A_55 = tpu.matmul %convert_element_type3A_50, %get3A_53, %dot_general3A_54 {dimension_numbers = #tpu.dot_dimension_numbers<[1], [0], [0], [1], [0, 0, 1, 1], [], []>, transpose_lhs_hint = false} : vector<1024x128xbf16>, vector<128x1024xbf16>, vector<1024x1024xf32> -> vector<1024x1024xf32>
    %swap3A_56 = arith.constant 0 : index
    %swap3A_57 = arith.constant 0 : index
    %swap3A_58 = vector.load %arg15[%swap3A_56, %swap3A_57] : memref<1024x1024xf32, #tpu.memory_space<vmem>>, vector<1024x1024xf32>
    tpu.vector_store %arg15[%swap3A_56, %swap3A_57], %dot_general3A_55 {strides = array<i32>} : memref<1024x1024xf32, #tpu.memory_space<vmem>>, vector<1024x1024xf32>,
    %eq3A_59 = arith.constant 24 : i32
    %eq3A_60 = arith.cmpi eq, %arg0, %eq3A_59 : i32
    %convert_element_type3A_61 = arith.extui %eq3A_60 : i1 to i32
    %cond3A_62 = arith.constant 0 : i32
    %cond3A_63 = arith.cmpi ne, %convert_element_type3A_61, %cond3A_62 : i32
    scf.if %cond3A_63 {
      %get3A_64 = arith.constant 0 : index
      %get3A_65 = arith.constant 0 : index
      %get3A_66 = vector.load %arg8[%get3A_64, %get3A_65] : memref<256x256xf32, #tpu.memory_space<vmem>>, vector<256x256xf32>
      %dot_general3A_67 = arith.constant dense<0.000000e+00> : vector<1024x256xf32>
      %dot_general3A_68 = tpu.matmul %mul3A_39, %get3A_66, %dot_general3A_67 {dimension_numbers = #tpu.dot_dimension_numbers<[1], [0], [0], [1], [0, 0, 1, 1], [], []>, transpose_lhs_hint = false} : vector<1024x256xf32>, vector<256x256xf32>, vector<1024x256xf32> -> vector<1024x256xf32>
      %get3A_69 = arith.constant 0 : index
      %get3A_70 = arith.constant 0 : index
      %get3A_71 = vector.load %arg9[%get3A_69, %get3A_70] : memref<8x256xf32, #tpu.memory_space<vmem>>, vector<1x256xf32>
      %add3A_72 = vector.broadcast %get3A_71 : vector<1x256xf32> to vector<1024x256xf32>
      %add3A_73 = arith.addf %dot_general3A_68, %add3A_72 : vector<1024x256xf32>
      %get3A_74 = arith.constant 0 : index
      %get3A_75 = arith.constant 0 : index
      %get3A_76 = vector.load %arg10[%get3A_74, %get3A_75] : memref<256x128xf32, #tpu.memory_space<vmem>>, vector<256x128xf32>
      %dot_general3A_77 = arith.constant dense<0.000000e+00> : vector<1024x128xf32>
      %dot_general3A_78 = tpu.matmul %add3A_73, %get3A_76, %dot_general3A_77 {dimension_numbers = #tpu.dot_dimension_numbers<[1], [0], [0], [1], [0, 0, 1, 1], [], []>, transpose_lhs_hint = false} : vector<1024x256xf32>, vector<256x128xf32>, vector<1024x128xf32> -> vector<1024x128xf32>
      %get3A_79 = arith.constant 0 : index
      %get3A_80 = arith.constant 0 : index
      %get3A_81 = vector.load %arg11[%get3A_79, %get3A_80] : memref<8x128xf32, #tpu.memory_space<vmem>>, vector<1x128xf32>
      %add3A_82 = vector.broadcast %get3A_81 : vector<1x128xf32> to vector<1024x128xf32>
      %add3A_83 = arith.addf %dot_general3A_78, %add3A_82 : vector<1024x128xf32>
      %swap3A_84 = arith.constant 0 : index
      %swap3A_85 = arith.constant 0 : index
      %swap3A_86 = vector.load %arg12[%swap3A_84, %swap3A_85] : memref<1024x128xf32, #tpu.memory_space<vmem>>, vector<1024x128xf32>
      tpu.vector_store %arg12[%swap3A_84, %swap3A_85], %add3A_83 {strides = array<i32>} : memref<1024x128xf32, #tpu.memory_space<vmem>>, vector<1024x128xf32>,
    } else {
    }
    return
  }
  func.func @transform_0(%arg0: i32) -> (i32, i32, i32) {
    %add3A = arith.constant 1 : i32
    %add3A_0 = arith.addi %arg0, %add3A : i32
    %min3A = arith.constant 24 : i32
    %min3A_1 = arith.minsi %add3A_0, %min3A : i32
    %c0_i32 = arith.constant 0 : i32
    %c0_i32_2 = arith.constant 0 : i32
    %c0_i32_3 = arith.constant 0 : i32
    return %min3A_1, %c0_i32, %c0_i32_2 : i32, i32, i32
  }
  func.func @transform_1(%arg0: i32) -> (i32, i32, i32) {
    %c0_i32 = arith.constant 0 : i32
    %c0_i32_0 = arith.constant 0 : i32
    %c0_i32_1 = arith.constant 0 : i32
    %c0_i32_2 = arith.constant 0 : i32
    return %c0_i32, %c0_i32_0, %c0_i32_1 : i32, i32, i32
  }
  func.func @transform_2(%arg0: i32) -> (i32, i32) {
    %c0_i32 = arith.constant 0 : i32
    %c0_i32_0 = arith.constant 0 : i32
    %c0_i32_1 = arith.constant 0 : i32
    return %c0_i32, %c0_i32_0 : i32, i32
  }
  func.func @transform_3(%arg0: i32) -> (i32, i32) {
    %c0_i32 = arith.constant 0 : i32
    %c0_i32_0 = arith.constant 0 : i32
    %c0_i32_1 = arith.constant 0 : i32
    return %c0_i32, %c0_i32_0 : i32, i32
  }
  func.func @transform_4(%arg0: i32) -> (i32, i32) {
    %c0_i32 = arith.constant 0 : i32
    %c0_i32_0 = arith.constant 0 : i32
    %c0_i32_1 = arith.constant 0 : i32
    return %c0_i32, %c0_i32_0 : i32, i32
  }
  func.func @transform_5(%arg0: i32) -> (i32, i32) {
    %c0_i32 = arith.constant 0 : i32
    %c0_i32_0 = arith.constant 0 : i32
    %c0_i32_1 = arith.constant 0 : i32
    return %c0_i32, %c0_i32_0 : i32, i32
  }
  func.func @transform_6(%arg0: i32) -> (i32, i32) {
    %c0_i32 = arith.constant 0 : i32
    %c0_i32_0 = arith.constant 0 : i32
    %c0_i32_1 = arith.constant 0 : i32
    return %c0_i32, %c0_i32_0 : i32, i32
  }
  func.func @transform_7(%arg0: i32) -> (i32, i32) {
    %c0_i32 = arith.constant 0 : i32
    %c0_i32_0 = arith.constant 0 : i32
    %c0_i32_1 = arith.constant 0 : i32
    return %c0_i32, %c0_i32_0 : i32, i32
  }
  func.func @transform_8(%arg0: i32) -> (i32, i32) {
    %c0_i32 = arith.constant 0 : i32
    %c0_i32_0 = arith.constant 0 : i32
    %c0_i32_1 = arith.constant 0 : i32
    return %c0_i32, %c0_i32_0 : i32, i32
  }
  func.func @transform_9(%arg0: i32) -> (i32, i32) {
    %c0_i32 = arith.constant 0 : i32
    %c0_i32_0 = arith.constant 0 : i32
    %c0_i32_1 = arith.constant 0 : i32
    return %c0_i32, %c0_i32_0 : i32, i32
  }
  func.func @transform_10(%arg0: i32) -> (i32, i32) {
    %c0_i32 = arith.constant 0 : i32
    %c0_i32_0 = arith.constant 0 : i32
    %c0_i32_1 = arith.constant 0 : i32
    return %c0_i32, %c0_i32_0 : i32, i32
  }
  func.func @transform_11(%arg0: i32) -> (i32, i32) {
    %c0_i32 = arith.constant 0 : i32
    %c0_i32_0 = arith.constant 0 : i32
    %c0_i32_1 = arith.constant 0 : i32
    return %c0_i32, %c0_i32_0 : i32, i32
  }
}

</mosaic_0001>

<sc_bundles>
// kernel: kernel.6.cloned.1.call-start
scs
__scs_entry_jumppad:
0x0: {  	(pc) =	sbr.rel $0x88, $3  }
0x1: {  	(tag) =	ssettag $0x0;
	lr =	simm.s32 $0x1  }
0x2: {  	[smem:$0x3F97] =	sst lr;
	_ =	strace $0xD0000000  }
0x3: {  	_ = 	snop  }
0x4: {  	_ = 	snop  }
0x5: {  	_ = 	snop  }
0x6: {  	_ = 	snop  }
0x7: {  	_ = 	snop  }
__scs_overlays_trampoline_lowered:
0x8: {  	[smem:$0x3FA6] =	sst s0  }
0x9: {  	[smem:$0x3FA7] =	sst s1  }
0xa: {  	[smem:$0x3FA8] =	sst s2  }
0xb: {  	[smem:$0x3FA9] =	sst s3  }
0xc: {  	[smem:$0x3FAA] =	sst s4  }
0xd: {  	[smem:$0x3FAB] =	sst s5  }
0xe: {  	[smem:$0x3FAC] =	sst s6  }
0xf: {  	[smem:$0x3FAD] =	sst s7  }
0x10: {  	[smem:$0x3FAE] =	sst s8  }
0x11: {  	[smem:$0x3FAF] =	sst s9;
	s0 =	simm.s32 @!p0 $0x0  }
0x12: {  	s1 =	sld [smem:$0x3F95];
	s0 =	simm.s32 @p0 $0x1  }
0x13: {  	[smem:$0x3FB0] =	sst s0;
	s0 =	simm.s32 @!p1 $0x0  }
0x14: {  	s2 =	sld [smem:$0x3F94];
	s0 =	simm.s32 @p1 $0x1  }
0x15: {  	[smem:$0x3FB1] =	sst s0;
	s0 =	simm.s32 @!p2 $0x0  }
0x16: {  	s3 =	sld [smem:$0x3FDB];
	s0 =	simm.s32 @p2 $0x1  }
0x17: {  	s4 =	simm.s32 $0x1BF5;
	[smem:$0x3FB3] =	sst s0  }
0x18: {  	s0 =	sld [smem:$0x3F96];
	_ =	swait.ge [sflag:s4], $0x0  }
0x19: {  	s7 =	sld [smem:$0x3F97]  }
0x1a: {  	s8 =	sadd.s32 $0xFFFFE003, lr  }
0x1b: {  	s9 =	sadd.s32 $0xFFFFFEF7, lr;
	s5 =	simm.s32 $0xFFFFFFFF;
	p2 =	slt.u32 s8, $0xFFFFF086  }
0x1c: {  	p1 =	slt.u32 s9, $0xF7A;
	s5 =	simm.s32 @!p2 $0x0  }
0x1d: {  	s5 =	simm.s32 @p1 $0x1;
	p0 =	seq.s32 s7, s2  }
0x1e: {  	s7 =	smul.u32 @!p0 $0xF7A, s2;
	p2 =	seq.s32 @!p0 s5, $0x0  }
0x1f: {  	s9 =	smul.u32 $0xF7A, s1;
	s8 =	simm.s32 @!p0 $0x1BF5;
	p2 =	por !p2, p0  }
0x20: {  	[sflag:s8] =	ssyncset.s32 @!p0 $0xFFFFF086;
	s6 =	sadd.s32 @!p0 s3, s7;
	s7 =	simm.s32 @!p0 $0x108  }
0x21: {  	s3 =	sadd.s32 s3, s9;
	s6 =	sadd.s32 @!p0 $0x88, s6;
	s7 =	simm.s32 @p2 $0x1082  }
0x22: {  	[simem:s7], [sflag:s8] =	dma.local @!p0 [hbm:s6], $0xF7A  }
0x23: {  	s9 =	sor.u32 $0xD0000000, s2;
	s6 =	simm.s32 $0x108;
	_ =	swait.ge @!p0 [sflag:s8], $0x0  }
0x24: {  	s3 =	sadd.s32 $0x88, s3;
	s6 =	simm.s32 @!p1 $0x1082;
	[sflag:s4] =	ssyncset.s32 $0xFFFFF086  }
0x25: {  	[simem:s6], [sflag:s4] =	dma.local [hbm:s3], $0xF7A  }
0x26: {  	[smem:$0x3F97] =	sst s1;
	(tag) =	ssettag s2;
	_ =	strace s9  }
0x27: {  	s1 =	sld [smem:$0x3FA7]  }
0x28: {  	s2 =	sld [smem:$0x3FA8]  }
0x29: {  	s4 =	sld [smem:$0x3FAA]  }
0x2a: {  	p0 =	seq.s32 s5, $0x0;
	s5 =	sld [smem:$0x3FAB]  }
0x2b: {  	s6 =	sld [smem:$0x3FAC]  }
0x2c: {  	s7 =	sld [smem:$0x3FAD]  }
0x2d: {  	s3 =	simm.s32 $0x108;
	s8 =	sld [smem:$0x3FAE]  }
0x2e: {  	s3 =	simm.s32 @!p0 $0x1082;
	s9 =	sld [smem:$0x3FAF]  }
0x2f: {  	lr =	sadd.s32 s0, s3;
	s0 =	sld [smem:$0x3FA6]  }
0x30: {  	s3 =	sld [smem:$0x3FA9]  }
0x31: {  	[smem:$0x3FB2] =	sst s10  }
0x32: {  	s10 =	sld [smem:$0x3FB0];
	_ =	sdelay $0x3  }
0x33: {  	p0 =	seq.s32 s10, $0x1;
	s10 =	sld [smem:$0x3FB2];
	_ =	sdelay $0x3  }
0x34: {  	[smem:$0x3FB2] =	sst s10  }
0x35: {  	s10 =	sld [smem:$0x3FB1];
	_ =	sdelay $0x3  }
0x36: {  	p1 =	seq.s32 s10, $0x1;
	s10 =	sld [smem:$0x3FB2];
	_ =	sdelay $0x3  }
0x37: {  	[smem:$0x3FB2] =	sst s10  }
0x38: {  	s10 =	sld [smem:$0x3FB3]  }
0x39: {  	_ = 	snop;
	(pc) =	sbr.ind lr, $3  }
0x3a: {  	_ = 	snop  }
0x3b: {  	_ = 	snop  }
0x3c: {  	p2 =	seq.s32 s10, $0x1;
	s10 =	sld [smem:$0x3FB2]  }
0x3d: {  	_ =	shalt  }
0x3e: {  	_ =	shalt  }
0x3f: {  	_ =	shalt  }
0x40: {  	_ =	shalt  }
0x41: {  	_ =	shalt  }
0x42: {  	_ =	shalt  }
0x43: {  	_ =	shalt  }
0x44: {  	_ =	shalt  }
0x45: {  	_ =	shalt  }
0x46: {  	_ =	shalt  }
0x47: {  	_ =	shalt  }
0x48: {  	_ =	shalt  }
0x49: {  	_ =	shalt  }
0x4a: {  	_ =	shalt  }
0x4b: {  	_ =	shalt  }
0x4c: {  	_ =	shalt  }
0x4d: {  	_ =	shalt  }
0x4e: {  	_ =	shalt  }
0x4f: {  	_ =	shalt  }
0x50: {  	_ =	shalt  }
0x51: {  	_ =	shalt  }
0x52: {  	_ =	shalt  }
0x53: {  	_ =	shalt  }
0x54: {  	_ =	shalt  }
0x55: {  	_ =	shalt  }
0x56: {  	_ =	shalt  }
0x57: {  	_ =	shalt  }
0x58: {  	_ =	shalt  }
0x59: {  	_ =	shalt  }
0x5a: {  	_ =	shalt  }
0x5b: {  	_ =	shalt  }
0x5c: {  	_ =	shalt  }
0x5d: {  	_ =	shalt  }
0x5e: {  	_ =	shalt  }
0x5f: {  	_ =	shalt  }
0x60: {  	_ =	shalt  }
0x61: {  	_ =	shalt  }
0x62: {  	_ =	shalt  }
0x63: {  	_ =	shalt  }
0x64: {  	_ =	shalt  }
0x65: {  	_ =	shalt  }
0x66: {  	_ =	shalt  }
0x67: {  	_ =	shalt  }
0x68: {  	_ =	shalt  }
0x69: {  	_ =	shalt  }
0x6a: {  	_ =	shalt  }
0x6b: {  	_ =	shalt  }
0x6c: {  	_ =	shalt  }
0x6d: {  	_ =	shalt  }
0x6e: {  	_ =	shalt  }
0x6f: {  	_ =	shalt  }
0x70: {  	_ =	shalt  }
0x71: {  	_ =	shalt  }
0x72: {  	_ =	shalt  }
0x73: {  	_ =	shalt  }
0x74: {  	_ =	shalt  }
0x75: {  	_ =	shalt  }
0x76: {  	_ =	shalt  }
0x77: {  	_ =	shalt  }
0x78: {  	_ =	shalt  }
0x79: {  	_ =	shalt  }
0x7a: {  	_ =	shalt  }
0x7b: {  	_ =	shalt  }
0x7c: {  	_ =	shalt  }
0x7d: {  	_ =	shalt  }
0x7e: {  	_ =	shalt  }
0x7f: {  	_ =	shalt  }
0x80: {  	_ =	shalt  }
0x81: {  	_ =	shalt  }
0x82: {  	_ =	shalt  }
0x83: {  	_ =	shalt  }
0x84: {  	_ =	shalt  }
0x85: {  	_ =	shalt  }
0x86: {  	_ =	shalt  }
0x87: {  	_ =	shalt  }
.Lfunc_end0:
.L_simem_size_0:
called_computation_lowered:
.L_overlay_start_0:
0x88: {  	s2 =	sld [smem:$0x3FD9]  }
0x89: {  	s3 =	sld [smem:$0x3FFE];
	_ =	sdelay $0x1  }
0x8a: {  	s1 =	srdreg.scid  }
0x8b: {  	s0 =	sand.u32 $0x1, s1  }
0x8c: {  	s17 =	sshll.u32 s0, $0xA;
	s2 =	sadd.s32 s3, s2  }
0x8d: {  	s2 =	sadd.s32 s2, s17  }
0x8e: {  	[smem:$0x3FBE] =	sst s2  }
0x8f: {  	_ = 	snop  }
0x90: {  	s2 =	sld [smem:$0x3FC8];
	(tm) =	ssettm $0x1  }
0x91: {  	s18 =	sld [smem:$0x3FFB];
	_ =	sdelay $0x3  }
0x92: {  	_ =	strace s18  }
0x93: {  	s3 =	sld [smem:$0x3FFC];
	_ =	sdelay $0x3  }
0x94: {  	_ =	strace s3  }
0x95: {  	s3 =	sld [smem:$0x3FFD];
	_ =	sdelay $0x3  }
0x96: {  	_ =	strace s3  }
0x97: {  	_ =	strace $0x8FFFFFFF  }
0x98: {  	s19 =	sld [smem:$0x3FDB];
	_ =	sdelay $0x1  }
0x99: {  	s4 =	simm.s32 $_scs_section_size  }
0x9a: {  	s5 =	simm.s32 $_size__tile_overlayer_lowered;
	s6 =	simm.s32 $_tile_overlayer_lowered  }
0x9b: {  	s22 =	simm.s32 $0x1BFF;
	s21 =	sshll.u32 s6, $0x1;
	s3 =	sadd.s32 s4, s19  }
0x9c: {  	s7 =	simm.s32 $0x0;
	s20 =	sshll.u32 s5, $0x1;
	s5 =	sadd.s32 s21, s3  }
0x9d: {  	[timem:s7], [sflag:s22] =	dma.local [hbm:s5], s20  }
0x9e: {  	_ =	swait.ge [sflag:s22], s20  }
0x9f: {  	s4 =	ssub.s32 $0x0, s20;
	[sflag:s22] =	ssyncset.done $0x0  }
0xa0: {  	[sflag:s22] =	ssyncadd.s32 s4;
	_ =	sdelay $0x1  }
0xa1: {  	s23 =	simm.s32 $0x1B8B  }
0xa2: {  	_ =	swait.ge [sflag:s23], $0x1  }
0xa3: {  	[sflag:s23] =	ssyncset.done $0x0  }
0xa4: {  	s25 =	simm.s32 $0x1B8E;
	s24 =	sld [smem:$0x3FFE];
	[sflag:s23] =	ssyncadd.s32 $0xFFFFFFFF  }
0xa5: {  	s26 =	simm.s32 $execute0_lowered;
	[smem:$0x3FD2] =	sst s25  }
0xa6: {  	s5 =	sshll.u32 s26, $0x1;
	_ =	strace $0x80000046;
	[dreg:$0x1] =	wrdreg $0xFFFFFFFF  }
0xa7: {  	s28 =	simm.s32 $_size_execute0_lowered;
	s3 =	sadd.s32 s3, s5;
	[dreg:$0x0] =	wrdreg $0x0  }
0xa8: {  	s5 =	sshll.u32 s28, $0x1;
	[dreg:$0x2] =	wrdreg s3  }
0xa9: {  	[dreg:$0x3] =	wrdreg s5  }
0xaa: {  	[dreg:$0x4] =	wrdreg $0xC0  }
0xab: {  	_ =	task [dreg:s7], $0x5FFFF  }
0xac: {  	[dreg:$0x1] =	wrdreg $0xFFFFFFFF  }
0xad: {  	[dreg:$0x0] =	wrdreg $0x60  }
0xae: {  	[dreg:$0x2] =	wrdreg s2  }
0xaf: {  	[dreg:$0x3] =	wrdreg s24  }
0xb0: {  	[dreg:$0x4] =	wrdreg $0x9  }
0xb1: {  	_ =	task.clear_ibuf [dreg:s7], $0x5FFFF;
	_ =	strace $0x90000046  }
0xb2: {  	s29 =	simm.s32 $0x9;
	_ =	strace $0x80000048  }
0xb3: {  	_ =	swait.ge [sflag:s29], $0x1  }
0xb4: {  	[sflag:s29] =	ssyncadd.s32 $0xFFFFFFFF  }
0xb5: {  	_ =	strace $0x90000048  }
0xb6: {  	_ =	sfence  }
0xb7: {  	s30 =	sld [smem:$0x0];
	_ =	sdelay $0x2  }
0xb8: {  	s31 =	sshll.u32 s1, $0xD;
	s1 =	sshrl.u32 s1, $0x2  }
0xb9: {  	s3 =	sand.u32 $0x4000, s31;
	s1 =	sadd.s32 s1, s30  }
0xba: {  	s0 =	sor.u32 s3, s0;
	s1 =	sshll.u32 s1, $0x11  }
0xbb: {  	s0 =	sor.u32 s1, s0  }
0xbc: {  	s0 =	sadd.s32 $0x8F2B, s0  }
0xbd: {  	[sflag:s0] =	ssyncadd.remote.s32 $0x1  }
0xbe: {  	_ =	sfence.sel $0xFFFF  }
0xbf: {  	[dreg:$0x0] =	wrdreg $0xFFFFFFFF;
	(pc) =	sbr.abs _section_cstart, $3  }
0xc0: {  	[dreg:$0x1] =	wrdreg $0xFFFFFFFF  }
0xc1: {  	_ =	task.clear_ibuf [dreg:s7], $0x2FFFF;
	_ =	strace $0x9FFFFFFF  }
0xc2: {  	(tm) =	ssettm $0x7FFFFFFF  }
0xc3: {  	_ =	shalt  }
tec
execute0_lowered:
.L_overlay_start_1:
0x0: {  	(tag) =	ssettag $0x1  }
0x1: {  	s1 =	srdreg.scid;
	s0 =	stileid.u32  }
0x2: {  	s29 =	sand.u32 $0x1, s1;
	s31 =	sshll.u32 s0, $0x1  }
0x3: {  	s2 =	rddreg [dreg:$0x0];
	s11 =	sor.u32 s29, s31  }
0x4: {  	s10 =	rddreg [dreg:$0x1];
	s4 =	smul.u32 $0x64, s11  }
0x5: {  	s3 =	simm.s32 $0x0;
	s1 =	rddreg [dreg:$0x2]  }
0x6: {  	[smem:$0x7FF] =	sst s3;
	s4 =	sadd.s32 s4, s10  }
0x7: {  	_ =	strace $0x80000047;
	s5 =	sadd.s32 $0x2200, s4;
	s4 =	simm.s32 $0x3  }
0x8: {  	[tilespmem:s3], [sflag:$0x3] =	stream.linear.gather [hbm4b:s5+s3], $0x320, $0x38;
	[tilespmem:$0x5380] =	vst v63  }
0x9: {  	_ =	swait.ge [sflag:s4], $0x320  }
0xa: {  	[sflag:s4] =	ssyncset.done $0x0  }
0xb: {  	s6 =	simm.s32 $0x50;
	s7 =	simm.s32 $0x380;
	[sflag:s4] =	ssyncadd.s32 $0xFFFFFCE0  }
0xc: {  	[tilespmem:s7], [sflag:$0x1] =	stream.indirect.gather [hbm4b:s2+s6], $0x80, s3, s6, $0xb8;
	[tilespmem:$0x5380] =	vst v63  }
0xd: {  	s8 =	simm.s32 $0x2B80;
	s9 =	simm.s32 $0x1  }
0xe: {  	[tilespmem:s8], [sflag:$0x2] =	stream.indirect.gather [hbm4b:s2+s6], $0x80, s6, s6, $0xb8;
	[tilespmem:$0x5380] =	vst v63  }
0xf: {  	s12 =	smul.u32 $0x3200, s11;
	_ =	swait.ge [sflag:s9], $0x2800  }
0x10: {  	s13 =	sadd.s32 $0x3000, s10;
	[sflag:s9] =	ssyncset.done $0x0  }
0x11: {  	s10 =	sadd.s32 s13, s12;
	[sflag:s9] =	ssyncadd.s32 $0xFFFFD800  }
0x12: {  	[hbm4b:s10+s3] =	stream.linear.scatter [tilespmem:s7], [sflag:$0x3], $0x2800, $0x38;
	[tilespmem:$0x5380] =	vst v63  }
0x13: {  	_ =	swait.ge [sflag:s4], $0x2800  }
0x14: {  	s14 =	smul.u32 $0x19000, s11;
	[sflag:s4] =	ssyncset.done $0x0  }
0x15: {  	s11 =	simm.s32 $0xA0;
	s12 =	simm.s32 $0x2;
	[sflag:s4] =	ssyncadd.s32 $0xFFFFD800  }
0x16: {  	[tilespmem:s7], [sflag:$0x1] =	stream.indirect.gather [hbm4b:s2+s6], $0x80, s11, s6, $0xb8;
	[tilespmem:$0x5380] =	vst v63  }
0x17: {  	s14 =	sshrl.u32 s14, $0x3;
	_ =	swait.ge [sflag:s12], $0x2800  }
0x18: {  	s30 =	sadd.s32 s13, s14;
	[sflag:s12] =	ssyncset.done $0x0  }
0x19: {  	s13 =	sadd.s32 $0x500, s30;
	[sflag:s12] =	ssyncadd.s32 $0xFFFFD800  }
0x1a: {  	[hbm4b:s13+s3] =	stream.linear.scatter [tilespmem:s8], [sflag:$0x3], $0x2800, $0x38;
	[tilespmem:$0x5380] =	vst v63  }
0x1b: {  	_ =	swait.ge [sflag:s4], $0x2800  }
0x1c: {  	[sflag:s4] =	ssyncset.done $0x0  }
0x1d: {  	s14 =	simm.s32 $0xF0;
	[sflag:s4] =	ssyncadd.s32 $0xFFFFD800  }
0x1e: {  	[tilespmem:s8], [sflag:$0x2] =	stream.indirect.gather [hbm4b:s2+s6], $0x80, s14, s6, $0xb8;
	[tilespmem:$0x5380] =	vst v63  }
0x1f: {  	_ =	swait.ge [sflag:s9], $0x2800  }
0x20: {  	[sflag:s9] =	ssyncset.done $0x0  }
0x21: {  	s15 =	sadd.s32 $0xA00, s30;
	[sflag:s9] =	ssyncadd.s32 $0xFFFFD800  }
0x22: {  	[hbm4b:s15+s3] =	stream.linear.scatter [tilespmem:s7], [sflag:$0x3], $0x2800, $0x38;
	[tilespmem:$0x5380] =	vst v63  }
0x23: {  	_ =	swait.ge [sflag:s4], $0x2800  }
0x24: {  	[sflag:s4] =	ssyncset.done $0x0  }
0x25: {  	s16 =	simm.s32 $0x140;
	[sflag:s4] =	ssyncadd.s32 $0xFFFFD800  }
0x26: {  	[tilespmem:s7], [sflag:$0x1] =	stream.indirect.gather [hbm4b:s2+s6], $0x80, s16, s6, $0xb8;
	[tilespmem:$0x5380] =	vst v63  }
0x27: {  	_ =	swait.ge [sflag:s12], $0x2800  }
0x28: {  	[sflag:s12] =	ssyncset.done $0x0  }
0x29: {  	s17 =	sadd.s32 $0xF00, s30;
	[sflag:s12] =	ssyncadd.s32 $0xFFFFD800  }
0x2a: {  	[hbm4b:s17+s3] =	stream.linear.scatter [tilespmem:s8], [sflag:$0x3], $0x2800, $0x38;
	[tilespmem:$0x5380] =	vst v63  }
0x2b: {  	_ =	swait.ge [sflag:s4], $0x2800  }
0x2c: {  	[sflag:s4] =	ssyncset.done $0x0  }
0x2d: {  	s18 =	simm.s32 $0x190;
	[sflag:s4] =	ssyncadd.s32 $0xFFFFD800  }
0x2e: {  	[tilespmem:s8], [sflag:$0x2] =	stream.indirect.gather [hbm4b:s2+s6], $0x80, s18, s6, $0xb8;
	[tilespmem:$0x5380] =	vst v63  }
0x2f: {  	_ =	swait.ge [sflag:s9], $0x2800  }
0x30: {  	[sflag:s9] =	ssyncset.done $0x0  }
0x31: {  	s19 =	sadd.s32 $0x1400, s30;
	[sflag:s9] =	ssyncadd.s32 $0xFFFFD800  }
0x32: {  	[hbm4b:s19+s3] =	stream.linear.scatter [tilespmem:s7], [sflag:$0x3], $0x2800, $0x38;
	[tilespmem:$0x5380] =	vst v63  }
0x33: {  	_ =	swait.ge [sflag:s4], $0x2800  }
0x34: {  	[sflag:s4] =	ssyncset.done $0x0  }
0x35: {  	s20 =	simm.s32 $0x1E0;
	[sflag:s4] =	ssyncadd.s32 $0xFFFFD800  }
0x36: {  	[tilespmem:s7], [sflag:$0x1] =	stream.indirect.gather [hbm4b:s2+s6], $0x80, s20, s6, $0xb8;
	[tilespmem:$0x5380] =	vst v63  }
0x37: {  	_ =	swait.ge [sflag:s12], $0x2800  }
0x38: {  	[sflag:s12] =	ssyncset.done $0x0  }
0x39: {  	s21 =	sadd.s32 $0x1900, s30;
	[sflag:s12] =	ssyncadd.s32 $0xFFFFD800  }
0x3a: {  	[hbm4b:s21+s3] =	stream.linear.scatter [tilespmem:s8], [sflag:$0x3], $0x2800, $0x38;
	[tilespmem:$0x5380] =	vst v63  }
0x3b: {  	_ =	swait.ge [sflag:s4], $0x2800  }
0x3c: {  	[sflag:s4] =	ssyncset.done $0x0  }
0x3d: {  	s22 =	simm.s32 $0x230;
	[sflag:s4] =	ssyncadd.s32 $0xFFFFD800  }
0x3e: {  	[tilespmem:s8], [sflag:$0x2] =	stream.indirect.gather [hbm4b:s2+s6], $0x80, s22, s6, $0xb8;
	[tilespmem:$0x5380] =	vst v63  }
0x3f: {  	_ =	swait.ge [sflag:s9], $0x2800  }
0x40: {  	[sflag:s9] =	ssyncset.done $0x0  }
0x41: {  	s23 =	sadd.s32 $0x1E00, s30;
	[sflag:s9] =	ssyncadd.s32 $0xFFFFD800  }
0x42: {  	[hbm4b:s23+s3] =	stream.linear.scatter [tilespmem:s7], [sflag:$0x3], $0x2800, $0x38;
	[tilespmem:$0x5380] =	vst v63  }
0x43: {  	_ =	swait.ge [sflag:s4], $0x2800  }
0x44: {  	[sflag:s4] =	ssyncset.done $0x0  }
0x45: {  	s24 =	simm.s32 $0x280;
	[sflag:s4] =	ssyncadd.s32 $0xFFFFD800  }
0x46: {  	[tilespmem:s7], [sflag:$0x1] =	stream.indirect.gather [hbm4b:s2+s6], $0x80, s24, s6, $0xb8;
	[tilespmem:$0x5380] =	vst v63  }
0x47: {  	_ =	swait.ge [sflag:s12], $0x2800  }
0x48: {  	[sflag:s12] =	ssyncset.done $0x0  }
0x49: {  	s25 =	sadd.s32 $0x2300, s30;
	[sflag:s12] =	ssyncadd.s32 $0xFFFFD800  }
0x4a: {  	[hbm4b:s25+s3] =	stream.linear.scatter [tilespmem:s8], [sflag:$0x3], $0x2800, $0x38;
	[tilespmem:$0x5380] =	vst v63  }
0x4b: {  	_ =	swait.ge [sflag:s4], $0x2800  }
0x4c: {  	[sflag:s4] =	ssyncset.done $0x0  }
0x4d: {  	s26 =	simm.s32 $0x2D0;
	[sflag:s4] =	ssyncadd.s32 $0xFFFFD800  }
0x4e: {  	[tilespmem:s8], [sflag:$0x2] =	stream.indirect.gather [hbm4b:s2+s6], $0x80, s26, s6, $0xb8;
	[tilespmem:$0x5380] =	vst v63  }
0x4f: {  	_ =	swait.ge [sflag:s9], $0x2800  }
0x50: {  	[sflag:s9] =	ssyncset.done $0x0  }
0x51: {  	s29 =	ssub.s32 $0x2, s29;
	s28 =	sadd.s32 $0x2800, s30;
	[sflag:s9] =	ssyncadd.s32 $0xFFFFD800  }
0x52: {  	[hbm4b:s28+s3] =	stream.linear.scatter [tilespmem:s7], [sflag:$0x3], $0x2800, $0x38;
	[tilespmem:$0x5380] =	vst v63  }
0x53: {  	s31 =	sshrl.u32 s29, $0x1;
	_ =	swait.ge [sflag:s4], $0x2800  }
0x54: {  	s31 =	ssub.s32 s29, s31;
	[sflag:s4] =	ssyncset.done $0x0  }
0x55: {  	s29 =	sadd.s32 $0x2D00, s30;
	s30 =	smax.u32 s31, $0x1;
	[sflag:s4] =	ssyncadd.s32 $0xFFFFD800  }
0x56: {  	p0 =	sne.s32 s30, $0x1;
	_ =	swait.ge [sflag:s12], $0x2800  }
.Ltmp0:
0x57: {  	[sflag:s12] =	ssyncset.done $0x0;
	(pc) =	sbr.rel @!p0 .LBB2_2-.Ltmp0, $4  }
0x58: {  	[sflag:s12] =	ssyncadd.s32 $0xFFFFD800  }
0x59: {  	[hbm4b:s29+s3] =	stream.linear.scatter [tilespmem:s8], [sflag:$0x3], $0x2800, $0x38;
	[tilespmem:$0x5380] =	vst v63  }
0x5a: {  	_ =	swait.ge [sflag:s4], $0x2800  }
0x5b: {  	s30 =	sadd.s32 $0xFFFFFFFF, s30;
	[sflag:s4] =	ssyncset.done $0x0  }
.LBB2_1:
0x5c: {  	p0 =	sne.s32 s30, $0x1;
	s30 =	sadd.s32 $0xFFFFFFFF, s30;
	[sflag:s4] =	ssyncadd.s32 $0xFFFFD800  }
0x5d: {  	[tilespmem:s3], [sflag:$0x3] =	stream.linear.gather [hbm4b:s5+s3], $0x320, $0x38;
	[tilespmem:$0x5380] =	vst v63  }
0x5e: {  	_ =	swait.ge [sflag:s4], $0x320  }
0x5f: {  	[sflag:s4] =	ssyncset.done $0x0  }
0x60: {  	[sflag:s4] =	ssyncadd.s32 $0xFFFFFCE0  }
0x61: {  	[tilespmem:s7], [sflag:$0x1] =	stream.indirect.gather [hbm4b:s2+s6], $0x80, s3, s6, $0xb8;
	[tilespmem:$0x5380] =	vst v63  }
0x62: {  	_ = 	snop  }
0x63: {  	[tilespmem:s8], [sflag:$0x2] =	stream.indirect.gather [hbm4b:s2+s6], $0x80, s6, s6, $0xb8;
	[tilespmem:$0x5380] =	vst v63  }
0x64: {  	_ =	swait.ge [sflag:s9], $0x2800  }
0x65: {  	[sflag:s9] =	ssyncset.done $0x0  }
0x66: {  	[sflag:s9] =	ssyncadd.s32 $0xFFFFD800  }
0x67: {  	[hbm4b:s10+s3] =	stream.linear.scatter [tilespmem:s7], [sflag:$0x3], $0x2800, $0x38;
	[tilespmem:$0x5380] =	vst v63  }
0x68: {  	_ =	swait.ge [sflag:s4], $0x2800  }
0x69: {  	[sflag:s4] =	ssyncset.done $0x0  }
0x6a: {  	[sflag:s4] =	ssyncadd.s32 $0xFFFFD800  }
0x6b: {  	[tilespmem:s7], [sflag:$0x1] =	stream.indirect.gather [hbm4b:s2+s6], $0x80, s11, s6, $0xb8;
	[tilespmem:$0x5380] =	vst v63  }
0x6c: {  	_ =	swait.ge [sflag:s12], $0x2800  }
0x6d: {  	[sflag:s12] =	ssyncset.done $0x0  }
0x6e: {  	[sflag:s12] =	ssyncadd.s32 $0xFFFFD800  }
0x6f: {  	[hbm4b:s13+s3] =	stream.linear.scatter [tilespmem:s8], [sflag:$0x3], $0x2800, $0x38;
	[tilespmem:$0x5380] =	vst v63  }
0x70: {  	_ =	swait.ge [sflag:s4], $0x2800  }
0x71: {  	[sflag:s4] =	ssyncset.done $0x0  }
0x72: {  	[sflag:s4] =	ssyncadd.s32 $0xFFFFD800  }
0x73: {  	[tilespmem:s8], [sflag:$0x2] =	stream.indirect.gather [hbm4b:s2+s6], $0x80, s14, s6, $0xb8;
	[tilespmem:$0x5380] =	vst v63  }
0x74: {  	_ =	swait.ge [sflag:s9], $0x2800  }
0x75: {  	[sflag:s9] =	ssyncset.done $0x0  }
0x76: {  	[sflag:s9] =	ssyncadd.s32 $0xFFFFD800  }
0x77: {  	[hbm4b:s15+s3] =	stream.linear.scatter [tilespmem:s7], [sflag:$0x3], $0x2800, $0x38;
	[tilespmem:$0x5380] =	vst v63  }
0x78: {  	_ =	swait.ge [sflag:s4], $0x2800  }
0x79: {  	[sflag:s4] =	ssyncset.done $0x0  }
0x7a: {  	[sflag:s4] =	ssyncadd.s32 $0xFFFFD800  }
0x7b: {  	[tilespmem:s7], [sflag:$0x1] =	stream.indirect.gather [hbm4b:s2+s6], $0x80, s16, s6, $0xb8;
	[tilespmem:$0x5380] =	vst v63  }
0x7c: {  	_ =	swait.ge [sflag:s12], $0x2800  }
0x7d: {  	[sflag:s12] =	ssyncset.done $0x0  }
0x7e: {  	[sflag:s12] =	ssyncadd.s32 $0xFFFFD800  }
0x7f: {  	[hbm4b:s17+s3] =	stream.linear.scatter [tilespmem:s8], [sflag:$0x3], $0x2800, $0x38;
	[tilespmem:$0x5380] =	vst v63  }
0x80: {  	_ =	swait.ge [sflag:s4], $0x2800  }
0x81: {  	[sflag:s4] =	ssyncset.done $0x0  }
0x82: {  	[sflag:s4] =	ssyncadd.s32 $0xFFFFD800  }
0x83: {  	[tilespmem:s8], [sflag:$0x2] =	stream.indirect.gather [hbm4b:s2+s6], $0x80, s18, s6, $0xb8;
	[tilespmem:$0x5380] =	vst v63  }
0x84: {  	_ =	swait.ge [sflag:s9], $0x2800  }
0x85: {  	[sflag:s9] =	ssyncset.done $0x0  }
0x86: {  	[sflag:s9] =	ssyncadd.s32 $0xFFFFD800  }
0x87: {  	[hbm4b:s19+s3] =	stream.linear.scatter [tilespmem:s7], [sflag:$0x3], $0x2800, $0x38;
	[tilespmem:$0x5380] =	vst v63  }
0x88: {  	_ =	swait.ge [sflag:s4], $0x2800  }
0x89: {  	[sflag:s4] =	ssyncset.done $0x0  }
0x8a: {  	[sflag:s4] =	ssyncadd.s32 $0xFFFFD800  }
0x8b: {  	[tilespmem:s7], [sflag:$0x1] =	stream.indirect.gather [hbm4b:s2+s6], $0x80, s20, s6, $0xb8;
	[tilespmem:$0x5380] =	vst v63  }
0x8c: {  	_ =	swait.ge [sflag:s12], $0x2800  }
0x8d: {  	[sflag:s12] =	ssyncset.done $0x0  }
0x8e: {  	[sflag:s12] =	ssyncadd.s32 $0xFFFFD800  }
0x8f: {  	[hbm4b:s21+s3] =	stream.linear.scatter [tilespmem:s8], [sflag:$0x3], $0x2800, $0x38;
	[tilespmem:$0x5380] =	vst v63  }
0x90: {  	_ =	swait.ge [sflag:s4], $0x2800  }
0x91: {  	[sflag:s4] =	ssyncset.done $0x0  }
0x92: {  	[sflag:s4] =	ssyncadd.s32 $0xFFFFD800  }
0x93: {  	[tilespmem:s8], [sflag:$0x2] =	stream.indirect.gather [hbm4b:s2+s6], $0x80, s22, s6, $0xb8;
	[tilespmem:$0x5380] =	vst v63  }
0x94: {  	_ =	swait.ge [sflag:s9], $0x2800  }
0x95: {  	[sflag:s9] =	ssyncset.done $0x0  }
0x96: {  	[sflag:s9] =	ssyncadd.s32 $0xFFFFD800  }
0x97: {  	[hbm4b:s23+s3] =	stream.linear.scatter [tilespmem:s7], [sflag:$0x3], $0x2800, $0x38;
	[tilespmem:$0x5380] =	vst v63  }
0x98: {  	_ =	swait.ge [sflag:s4], $0x2800  }
0x99: {  	[sflag:s4] =	ssyncset.done $0x0  }
0x9a: {  	[sflag:s4] =	ssyncadd.s32 $0xFFFFD800  }
0x9b: {  	[tilespmem:s7], [sflag:$0x1] =	stream.indirect.gather [hbm4b:s2+s6], $0x80, s24, s6, $0xb8;
	[tilespmem:$0x5380] =	vst v63  }
0x9c: {  	_ =	swait.ge [sflag:s12], $0x2800  }
0x9d: {  	[sflag:s12] =	ssyncset.done $0x0  }
0x9e: {  	[sflag:s12] =	ssyncadd.s32 $0xFFFFD800  }
0x9f: {  	[hbm4b:s25+s3] =	stream.linear.scatter [tilespmem:s8], [sflag:$0x3], $0x2800, $0x38;
	[tilespmem:$0x5380] =	vst v63  }
0xa0: {  	_ =	swait.ge [sflag:s4], $0x2800  }
0xa1: {  	[sflag:s4] =	ssyncset.done $0x0  }
0xa2: {  	[sflag:s4] =	ssyncadd.s32 $0xFFFFD800  }
0xa3: {  	[tilespmem:s8], [sflag:$0x2] =	stream.indirect.gather [hbm4b:s2+s6], $0x80, s26, s6, $0xb8;
	[tilespmem:$0x5380] =	vst v63  }
0xa4: {  	_ =	swait.ge [sflag:s9], $0x2800  }
0xa5: {  	[sflag:s9] =	ssyncset.done $0x0  }
0xa6: {  	[sflag:s9] =	ssyncadd.s32 $0xFFFFD800  }
0xa7: {  	[hbm4b:s28+s3] =	stream.linear.scatter [tilespmem:s7], [sflag:$0x3], $0x2800, $0x38;
	[tilespmem:$0x5380] =	vst v63  }
0xa8: {  	_ =	swait.ge [sflag:s4], $0x2800  }
0xa9: {  	[sflag:s4] =	ssyncset.done $0x0  }
0xaa: {  	[sflag:s4] =	ssyncadd.s32 $0xFFFFD800  }
0xab: {  	_ =	swait.ge [sflag:s12], $0x2800  }
.Ltmp1:
0xac: {  	[sflag:s12] =	ssyncset.done $0x0;
	(pc) =	sbr.rel @p0 .LBB2_1-.Ltmp1, $4  }
0xad: {  	[sflag:s12] =	ssyncadd.s32 $0xFFFFD800  }
0xae: {  	[hbm4b:s29+s3] =	stream.linear.scatter [tilespmem:s8], [sflag:$0x3], $0x2800, $0x38;
	[tilespmem:$0x5380] =	vst v63  }
0xaf: {  	_ =	swait.ge [sflag:s4], $0x2800  }
0xb0: {  	[sflag:s4] =	ssyncset.done $0x0  }
.LBB2_2:
0xb1: {  	[sflag:s4] =	ssyncadd.s32 $0xFFFFD800  }
0xb2: {  	_ =	sfence.sel $0x180000  }
0xb3: {  	[bflag:$0x0] =	sbarrier.arrive $0xFFFF  }
0xb4: {  	p0 =	sne.s32 s0, $0x0;
	_ =	strace $0x90000047  }
0xb5: {  	s0 =	sadd.s32 @!p0 $0x100000, s1;
	[bflag:$0x2] =	sbarrier.arrive $0xFFFF  }
0xb6: {  	[sflag:s0] =	ssyncadd.tile.s32 @!p0 $0x1;
	_ =	shalt  }
.Lfunc_end2:
_tile_overlayer_lowered:
.L_overlay_start_2:
0xb7: {  	(tag) =	ssettag $0x2  }
0xb8: {  	s0 =	rddreg [dreg:$0x0];
	s2 =	stileid.u32  }
0xb9: {  	s1 =	rddreg [dreg:$0x1];
	p0 =	sne.s32 s2, $0x0  }
0xba: {  	s3 =	rddreg [dreg:$0x2];
	[bflag:$0x3] =	sbarrier.arrive $0xFFFF;
	s2 =	simm.s32 @!p0 $0x1C03  }
0xbb: {  	[timem:s3], [sflag:s2] =	dma.local @!p0 [hbm:s0], s1  }
0xbc: {  	s0 =	simm.s32 @!p0 $0x3  }
0xbd: {  	_ =	swait.ge @!p0 [sflag:s0], s1  }
0xbe: {  	s1 =	ssub.s32 @!p0 $0x0, s1;
	[sflag:s0] =	ssyncset.done @!p0 $0x0  }
0xbf: {  	[sflag:s0] =	ssyncadd.s32 @!p0 s1  }
0xc0: {  	[bflag:$0x3] =	sbarrier.arrive $0xFFFF  }
0xc1: {  	_ =	shalt  }

// kernel: kernel.9.cloned.1.call-start
scs
__scs_entry_jumppad:
0x0: {  	(pc) =	sbr.rel $0x88, $3  }
0x1: {  	(tag) =	ssettag $0x0;
	lr =	simm.s32 $0x1  }
0x2: {  	[smem:$0x3F97] =	sst lr;
	_ =	strace $0xD0000000  }
0x3: {  	_ = 	snop  }
0x4: {  	_ = 	snop  }
0x5: {  	_ = 	snop  }
0x6: {  	_ = 	snop  }
0x7: {  	_ = 	snop  }
__scs_overlays_trampoline_lowered:
0x8: {  	[smem:$0x3FA6] =	sst s0  }
0x9: {  	[smem:$0x3FA7] =	sst s1  }
0xa: {  	[smem:$0x3FA8] =	sst s2  }
0xb: {  	[smem:$0x3FA9] =	sst s3  }
0xc: {  	[smem:$0x3FAA] =	sst s4  }
0xd: {  	[smem:$0x3FAB] =	sst s5  }
0xe: {  	[smem:$0x3FAC] =	sst s6  }
0xf: {  	[smem:$0x3FAD] =	sst s7  }
0x10: {  	[smem:$0x3FAE] =	sst s8  }
0x11: {  	[smem:$0x3FAF] =	sst s9;
	s0 =	simm.s32 @!p0 $0x0  }
0x12: {  	s1 =	sld [smem:$0x3F95];
	s0 =	simm.s32 @p0 $0x1  }
0x13: {  	[smem:$0x3FB0] =	sst s0;
	s0 =	simm.s32 @!p1 $0x0  }
0x14: {  	s2 =	sld [smem:$0x3F94];
	s0 =	simm.s32 @p1 $0x1  }
0x15: {  	[smem:$0x3FB1] =	sst s0;
	s0 =	simm.s32 @!p2 $0x0  }
0x16: {  	s3 =	sld [smem:$0x3FDB];
	s0 =	simm.s32 @p2 $0x1  }
0x17: {  	s4 =	simm.s32 $0x1BF5;
	[smem:$0x3FB3] =	sst s0  }
0x18: {  	s0 =	sld [smem:$0x3F96];
	_ =	swait.ge [sflag:s4], $0x0  }
0x19: {  	s7 =	sld [smem:$0x3F97]  }
0x1a: {  	s8 =	sadd.s32 $0xFFFFE003, lr  }
0x1b: {  	s9 =	sadd.s32 $0xFFFFFEF7, lr;
	s5 =	simm.s32 $0xFFFFFFFF;
	p2 =	slt.u32 s8, $0xFFFFF086  }
0x1c: {  	p1 =	slt.u32 s9, $0xF7A;
	s5 =	simm.s32 @!p2 $0x0  }
0x1d: {  	s5 =	simm.s32 @p1 $0x1;
	p0 =	seq.s32 s7, s2  }
0x1e: {  	s7 =	smul.u32 @!p0 $0xF7A, s2;
	p2 =	seq.s32 @!p0 s5, $0x0  }
0x1f: {  	s9 =	smul.u32 $0xF7A, s1;
	s8 =	simm.s32 @!p0 $0x1BF5;
	p2 =	por !p2, p0  }
0x20: {  	[sflag:s8] =	ssyncset.s32 @!p0 $0xFFFFF086;
	s6 =	sadd.s32 @!p0 s3, s7;
	s7 =	simm.s32 @!p0 $0x108  }
0x21: {  	s3 =	sadd.s32 s3, s9;
	s6 =	sadd.s32 @!p0 $0x88, s6;
	s7 =	simm.s32 @p2 $0x1082  }
0x22: {  	[simem:s7], [sflag:s8] =	dma.local @!p0 [hbm:s6], $0xF7A  }
0x23: {  	s9 =	sor.u32 $0xD0000000, s2;
	s6 =	simm.s32 $0x108;
	_ =	swait.ge @!p0 [sflag:s8], $0x0  }
0x24: {  	s3 =	sadd.s32 $0x88, s3;
	s6 =	simm.s32 @!p1 $0x1082;
	[sflag:s4] =	ssyncset.s32 $0xFFFFF086  }
0x25: {  	[simem:s6], [sflag:s4] =	dma.local [hbm:s3], $0xF7A  }
0x26: {  	[smem:$0x3F97] =	sst s1;
	(tag) =	ssettag s2;
	_ =	strace s9  }
0x27: {  	s1 =	sld [smem:$0x3FA7]  }
0x28: {  	s2 =	sld [smem:$0x3FA8]  }
0x29: {  	s4 =	sld [smem:$0x3FAA]  }
0x2a: {  	p0 =	seq.s32 s5, $0x0;
	s5 =	sld [smem:$0x3FAB]  }
0x2b: {  	s6 =	sld [smem:$0x3FAC]  }
0x2c: {  	s7 =	sld [smem:$0x3FAD]  }
0x2d: {  	s3 =	simm.s32 $0x108;
	s8 =	sld [smem:$0x3FAE]  }
0x2e: {  	s3 =	simm.s32 @!p0 $0x1082;
	s9 =	sld [smem:$0x3FAF]  }
0x2f: {  	lr =	sadd.s32 s0, s3;
	s0 =	sld [smem:$0x3FA6]  }
0x30: {  	s3 =	sld [smem:$0x3FA9]  }
0x31: {  	[smem:$0x3FB2] =	sst s10  }
0x32: {  	s10 =	sld [smem:$0x3FB0];
	_ =	sdelay $0x3  }
0x33: {  	p0 =	seq.s32 s10, $0x1;
	s10 =	sld [smem:$0x3FB2];
	_ =	sdelay $0x3  }
0x34: {  	[smem:$0x3FB2] =	sst s10  }
0x35: {  	s10 =	sld [smem:$0x3FB1];
	_ =	sdelay $0x3  }
0x36: {  	p1 =	seq.s32 s10, $0x1;
	s10 =	sld [smem:$0x3FB2];
	_ =	sdelay $0x3  }
0x37: {  	[smem:$0x3FB2] =	sst s10  }
0x38: {  	s10 =	sld [smem:$0x3FB3]  }
0x39: {  	_ = 	snop;
	(pc) =	sbr.ind lr, $3  }
0x3a: {  	_ = 	snop  }
0x3b: {  	_ = 	snop  }
0x3c: {  	p2 =	seq.s32 s10, $0x1;
	s10 =	sld [smem:$0x3FB2]  }
0x3d: {  	_ =	shalt  }
0x3e: {  	_ =	shalt  }
0x3f: {  	_ =	shalt  }
0x40: {  	_ =	shalt  }
0x41: {  	_ =	shalt  }
0x42: {  	_ =	shalt  }
0x43: {  	_ =	shalt  }
0x44: {  	_ =	shalt  }
0x45: {  	_ =	shalt  }
0x46: {  	_ =	shalt  }
0x47: {  	_ =	shalt  }
0x48: {  	_ =	shalt  }
0x49: {  	_ =	shalt  }
0x4a: {  	_ =	shalt  }
0x4b: {  	_ =	shalt  }
0x4c: {  	_ =	shalt  }
0x4d: {  	_ =	shalt  }
0x4e: {  	_ =	shalt  }
0x4f: {  	_ =	shalt  }
0x50: {  	_ =	shalt  }
0x51: {  	_ =	shalt  }
0x52: {  	_ =	shalt  }
0x53: {  	_ =	shalt  }
0x54: {  	_ =	shalt  }
0x55: {  	_ =	shalt  }
0x56: {  	_ =	shalt  }
0x57: {  	_ =	shalt  }
0x58: {  	_ =	shalt  }
0x59: {  	_ =	shalt  }
0x5a: {  	_ =	shalt  }
0x5b: {  	_ =	shalt  }
0x5c: {  	_ =	shalt  }
0x5d: {  	_ =	shalt  }
0x5e: {  	_ =	shalt  }
0x5f: {  	_ =	shalt  }
0x60: {  	_ =	shalt  }
0x61: {  	_ =	shalt  }
0x62: {  	_ =	shalt  }
0x63: {  	_ =	shalt  }
0x64: {  	_ =	shalt  }
0x65: {  	_ =	shalt  }
0x66: {  	_ =	shalt  }
0x67: {  	_ =	shalt  }
0x68: {  	_ =	shalt  }
0x69: {  	_ =	shalt  }
0x6a: {  	_ =	shalt  }
0x6b: {  	_ =	shalt  }
0x6c: {  	_ =	shalt  }
0x6d: {  	_ =	shalt  }
0x6e: {  	_ =	shalt  }
0x6f: {  	_ =	shalt  }
0x70: {  	_ =	shalt  }
0x71: {  	_ =	shalt  }
0x72: {  	_ =	shalt  }
0x73: {  	_ =	shalt  }
0x74: {  	_ =	shalt  }
0x75: {  	_ =	shalt  }
0x76: {  	_ =	shalt  }
0x77: {  	_ =	shalt  }
0x78: {  	_ =	shalt  }
0x79: {  	_ =	shalt  }
0x7a: {  	_ =	shalt  }
0x7b: {  	_ =	shalt  }
0x7c: {  	_ =	shalt  }
0x7d: {  	_ =	shalt  }
0x7e: {  	_ =	shalt  }
0x7f: {  	_ =	shalt  }
0x80: {  	_ =	shalt  }
0x81: {  	_ =	shalt  }
0x82: {  	_ =	shalt  }
0x83: {  	_ =	shalt  }
0x84: {  	_ =	shalt  }
0x85: {  	_ =	shalt  }
0x86: {  	_ =	shalt  }
0x87: {  	_ =	shalt  }
.Lfunc_end0:
.L_simem_size_0:
called_computation.1_lowered:
.L_overlay_start_0:
0x88: {  	s2 =	sld [smem:$0x3FD9]  }
0x89: {  	s3 =	sld [smem:$0x3FFE];
	_ =	sdelay $0x1  }
0x8a: {  	s1 =	srdreg.scid  }
0x8b: {  	s0 =	sand.u32 $0x1, s1  }
0x8c: {  	s17 =	sshll.u32 s0, $0xA;
	s2 =	sadd.s32 s3, s2  }
0x8d: {  	s2 =	sadd.s32 s2, s17  }
0x8e: {  	[smem:$0x3FBE] =	sst s2  }
0x8f: {  	_ = 	snop  }
0x90: {  	s18 =	sld [smem:$0x3FC8];
	(tm) =	ssettm $0x1  }
0x91: {  	s19 =	sld [smem:$0x3FFB];
	_ =	sdelay $0x3  }
0x92: {  	_ =	strace s19  }
0x93: {  	s2 =	sld [smem:$0x3FFC];
	_ =	sdelay $0x3  }
0x94: {  	_ =	strace s2  }
0x95: {  	s2 =	sld [smem:$0x3FFD];
	_ =	sdelay $0x3  }
0x96: {  	_ =	strace s2  }
0x97: {  	_ =	strace $0x8FFFFFFF  }
0x98: {  	s20 =	sld [smem:$0x3FDB];
	_ =	sdelay $0x1  }
0x99: {  	s4 =	simm.s32 $_scs_section_size  }
0x9a: {  	s5 =	simm.s32 $_size__tile_overlayer_lowered;
	s6 =	simm.s32 $_tile_overlayer_lowered  }
0x9b: {  	s7 =	simm.s32 $0x1BFF;
	s21 =	sshll.u32 s6, $0x1;
	s4 =	sadd.s32 s4, s20  }
0x9c: {  	s22 =	simm.s32 $0x0;
	s5 =	sshll.u32 s5, $0x1;
	s6 =	sadd.s32 s21, s4  }
0x9d: {  	[timem:s22], [sflag:s7] =	dma.local [hbm:s6], s5  }
0x9e: {  	_ =	swait.ge [sflag:s7], s5  }
0x9f: {  	s5 =	ssub.s32 $0x0, s5;
	[sflag:s7] =	ssyncset.done $0x0  }
0xa0: {  	[sflag:s7] =	ssyncadd.s32 s5;
	_ =	sdelay $0x1  }
0xa1: {  	s23 =	simm.s32 $0x1B8B  }
0xa2: {  	_ =	swait.ge [sflag:s23], $0x1  }
0xa3: {  	[sflag:s23] =	ssyncset.done $0x0  }
0xa4: {  	[sflag:s23] =	ssyncadd.s32 $0xFFFFFFFF  }
0xa5: {  	s5 =	sld [smem:$0x0]  }
0xa6: {  	s6 =	sand.u32 $0xFFFFFFFE, s1  }
0xa7: {  	p0 =	sne.s32 s1, s6  }
0xa8: {  	s6 =	sshll.u32 @p0 s6, $0xE  }
0xa9: {  	s6 =	sadd.s32 @p0 $0x11B8D, s6;
	s7 =	sshll.u32 @p0 s5, $0x11  }
0xaa: {  	s6 =	sor.u32 @p0 s7, s6  }
0xab: {  	[sflag:s6] =	ssyncadd.remote.s32 @p0 $0x1;
	_ =	sdelay $0x1  }
0xac: {  	s6 =	simm.s32 @p0 $0x1B8D  }
0xad: {  	_ =	swait.eq @p0 [sflag:s6], $0x1  }
0xae: {  	[sflag:s6] =	ssyncadd.s32 @p0 $0xFFFFFFFF  }
0xaf: {  	s7 =	sshll.u32 @!p0 s1, $0xE  }
0xb0: {  	s7 =	sor.u32 @!p0 $0x4000, s7;
	s6 =	simm.s32 @!p0 $0x1B8D  }
0xb1: {  	s5 =	sshll.u32 @!p0 s5, $0x11;
	s7 =	sadd.s32 @!p0 $0x11B8D, s7;
	_ =	swait.eq @!p0 [sflag:s6], $0x1  }
0xb2: {  	s5 =	sor.u32 @!p0 s5, s7;
	[sflag:s6] =	ssyncadd.s32 @!p0 $0xFFFFFFFF  }
0xb3: {  	s25 =	simm.s32 $0x1B8E;
	s24 =	sld [smem:$0x3FFE];
	[sflag:s5] =	ssyncadd.remote.s32 @!p0 $0x1  }
0xb4: {  	s26 =	simm.s32 $execute0_lowered;
	[smem:$0x3FD2] =	sst s25  }
0xb5: {  	s6 =	sshll.u32 s26, $0x1;
	_ =	strace $0x80000049;
	[dreg:$0x1] =	wrdreg $0xFFFFFFFF  }
0xb6: {  	s28 =	simm.s32 $_size_execute0_lowered;
	s4 =	sadd.s32 s4, s6;
	[dreg:$0x0] =	wrdreg $0x0  }
0xb7: {  	s6 =	sshll.u32 s28, $0x1;
	[dreg:$0x2] =	wrdreg s4  }
0xb8: {  	[dreg:$0x3] =	wrdreg s6  }
0xb9: {  	[dreg:$0x4] =	wrdreg $0xC0  }
0xba: {  	_ =	task [dreg:s22], $0x5FFFF  }
0xbb: {  	[dreg:$0x1] =	wrdreg $0xFFFFFFFF  }
0xbc: {  	[dreg:$0x0] =	wrdreg $0x60  }
0xbd: {  	[dreg:$0x2] =	wrdreg s18  }
0xbe: {  	[dreg:$0x3] =	wrdreg s24  }
0xbf: {  	[dreg:$0x4] =	wrdreg $0xA  }
0xc0: {  	_ =	task.clear_ibuf [dreg:s22], $0x5FFFF;
	_ =	strace $0x90000049  }
0xc1: {  	s29 =	simm.s32 $0xA;
	_ =	strace $0x8000004B  }
0xc2: {  	_ =	swait.ge [sflag:s29], $0x1  }
0xc3: {  	[sflag:s29] =	ssyncadd.s32 $0xFFFFFFFF  }
0xc4: {  	_ =	strace $0x9000004B  }
0xc5: {  	_ =	sfence  }
0xc6: {  	s30 =	sld [smem:$0x0];
	_ =	sdelay $0x2  }
0xc7: {  	s31 =	sshll.u32 s1, $0xD;
	s1 =	sshrl.u32 s1, $0x2  }
0xc8: {  	s4 =	sand.u32 $0x4000, s31;
	s1 =	sadd.s32 s1, s30  }
0xc9: {  	s0 =	sor.u32 s4, s0;
	s1 =	sshll.u32 s1, $0x11  }
0xca: {  	s0 =	sor.u32 s1, s0  }
0xcb: {  	s0 =	sadd.s32 $0x8F2B, s0  }
0xcc: {  	[sflag:s0] =	ssyncadd.remote.s32 $0x1  }
0xcd: {  	_ =	sfence.sel $0xFFFF  }
0xce: {  	[dreg:$0x0] =	wrdreg $0xFFFFFFFF;
	(pc) =	sbr.abs _section_cstart, $3  }
0xcf: {  	[dreg:$0x1] =	wrdreg $0xFFFFFFFF  }
0xd0: {  	_ =	task.clear_ibuf [dreg:s22], $0x2FFFF;
	_ =	strace $0x9FFFFFFF  }
0xd1: {  	(tm) =	ssettm $0x7FFFFFFF  }
tec
execute0_lowered:
.L_overlay_start_1:
0x0: {  	(tag) =	ssettag $0x1  }
0x1: {  	s1 =	srdreg.scid;
	s0 =	stileid.u32  }
0x2: {  	s29 =	sand.u32 $0x1, s1;
	s31 =	sshll.u32 s0, $0x1  }
0x3: {  	s2 =	rddreg [dreg:$0x0];
	s11 =	sor.u32 s29, s31  }
0x4: {  	s10 =	rddreg [dreg:$0x1];
	s4 =	smul.u32 $0x64, s11  }
0x5: {  	s3 =	simm.s32 $0x0;
	s1 =	rddreg [dreg:$0x2]  }
0x6: {  	[smem:$0x7FF] =	sst s3;
	s4 =	sadd.s32 s4, s10  }
0x7: {  	_ =	strace $0x8000004A;
	s5 =	sadd.s32 $0x67000, s4;
	s4 =	simm.s32 $0x3  }
0x8: {  	[tilespmem:s3], [sflag:$0x3] =	stream.linear.gather [hbm4b:s5+s3], $0x320, $0x38;
	[tilespmem:$0x5380] =	vst v63  }
0x9: {  	_ =	swait.ge [sflag:s4], $0x320  }
0xa: {  	[sflag:s4] =	ssyncset.done $0x0  }
0xb: {  	s6 =	simm.s32 $0x50;
	s7 =	simm.s32 $0x380;
	[sflag:s4] =	ssyncadd.s32 $0xFFFFFCE0  }
0xc: {  	[tilespmem:s7], [sflag:$0x1] =	stream.indirect.gather [hbm4b:s2+s6], $0x80, s3, s6, $0xb8;
	[tilespmem:$0x5380] =	vst v63  }
0xd: {  	s8 =	simm.s32 $0x2B80;
	s9 =	simm.s32 $0x1  }
0xe: {  	[tilespmem:s8], [sflag:$0x2] =	stream.indirect.gather [hbm4b:s2+s6], $0x80, s6, s6, $0xb8;
	[tilespmem:$0x5380] =	vst v63  }
0xf: {  	s12 =	smul.u32 $0x3200, s11;
	_ =	swait.ge [sflag:s9], $0x2800  }
0x10: {  	s13 =	sadd.s32 $0x67E00, s10;
	[sflag:s9] =	ssyncset.done $0x0  }
0x11: {  	s10 =	sadd.s32 s13, s12;
	[sflag:s9] =	ssyncadd.s32 $0xFFFFD800  }
0x12: {  	[hbm4b:s10+s3] =	stream.linear.scatter [tilespmem:s7], [sflag:$0x3], $0x2800, $0x38;
	[tilespmem:$0x5380] =	vst v63  }
0x13: {  	_ =	swait.ge [sflag:s4], $0x2800  }
0x14: {  	s14 =	smul.u32 $0x19000, s11;
	[sflag:s4] =	ssyncset.done $0x0  }
0x15: {  	s11 =	simm.s32 $0xA0;
	s12 =	simm.s32 $0x2;
	[sflag:s4] =	ssyncadd.s32 $0xFFFFD800  }
0x16: {  	[tilespmem:s7], [sflag:$0x1] =	stream.indirect.gather [hbm4b:s2+s6], $0x80, s11, s6, $0xb8;
	[tilespmem:$0x5380] =	vst v63  }
0x17: {  	s14 =	sshrl.u32 s14, $0x3;
	_ =	swait.ge [sflag:s12], $0x2800  }
0x18: {  	s30 =	sadd.s32 s13, s14;
	[sflag:s12] =	ssyncset.done $0x0  }
0x19: {  	s13 =	sadd.s32 $0x500, s30;
	[sflag:s12] =	ssyncadd.s32 $0xFFFFD800  }
0x1a: {  	[hbm4b:s13+s3] =	stream.linear.scatter [tilespmem:s8], [sflag:$0x3], $0x2800, $0x38;
	[tilespmem:$0x5380] =	vst v63  }
0x1b: {  	_ =	swait.ge [sflag:s4], $0x2800  }
0x1c: {  	[sflag:s4] =	ssyncset.done $0x0  }
0x1d: {  	s14 =	simm.s32 $0xF0;
	[sflag:s4] =	ssyncadd.s32 $0xFFFFD800  }
0x1e: {  	[tilespmem:s8], [sflag:$0x2] =	stream.indirect.gather [hbm4b:s2+s6], $0x80, s14, s6, $0xb8;
	[tilespmem:$0x5380] =	vst v63  }
0x1f: {  	_ =	swait.ge [sflag:s9], $0x2800  }
0x20: {  	[sflag:s9] =	ssyncset.done $0x0  }
0x21: {  	s15 =	sadd.s32 $0xA00, s30;
	[sflag:s9] =	ssyncadd.s32 $0xFFFFD800  }
0x22: {  	[hbm4b:s15+s3] =	stream.linear.scatter [tilespmem:s7], [sflag:$0x3], $0x2800, $0x38;
	[tilespmem:$0x5380] =	vst v63  }
0x23: {  	_ =	swait.ge [sflag:s4], $0x2800  }
0x24: {  	[sflag:s4] =	ssyncset.done $0x0  }
0x25: {  	s16 =	simm.s32 $0x140;
	[sflag:s4] =	ssyncadd.s32 $0xFFFFD800  }
0x26: {  	[tilespmem:s7], [sflag:$0x1] =	stream.indirect.gather [hbm4b:s2+s6], $0x80, s16, s6, $0xb8;
	[tilespmem:$0x5380] =	vst v63  }
0x27: {  	_ =	swait.ge [sflag:s12], $0x2800  }
0x28: {  	[sflag:s12] =	ssyncset.done $0x0  }
0x29: {  	s17 =	sadd.s32 $0xF00, s30;
	[sflag:s12] =	ssyncadd.s32 $0xFFFFD800  }
0x2a: {  	[hbm4b:s17+s3] =	stream.linear.scatter [tilespmem:s8], [sflag:$0x3], $0x2800, $0x38;
	[tilespmem:$0x5380] =	vst v63  }
0x2b: {  	_ =	swait.ge [sflag:s4], $0x2800  }
0x2c: {  	[sflag:s4] =	ssyncset.done $0x0  }
0x2d: {  	s18 =	simm.s32 $0x190;
	[sflag:s4] =	ssyncadd.s32 $0xFFFFD800  }
0x2e: {  	[tilespmem:s8], [sflag:$0x2] =	stream.indirect.gather [hbm4b:s2+s6], $0x80, s18, s6, $0xb8;
	[tilespmem:$0x5380] =	vst v63  }
0x2f: {  	_ =	swait.ge [sflag:s9], $0x2800  }
0x30: {  	[sflag:s9] =	ssyncset.done $0x0  }
0x31: {  	s19 =	sadd.s32 $0x1400, s30;
	[sflag:s9] =	ssyncadd.s32 $0xFFFFD800  }
0x32: {  	[hbm4b:s19+s3] =	stream.linear.scatter [tilespmem:s7], [sflag:$0x3], $0x2800, $0x38;
	[tilespmem:$0x5380] =	vst v63  }
0x33: {  	_ =	swait.ge [sflag:s4], $0x2800  }
0x34: {  	[sflag:s4] =	ssyncset.done $0x0  }
0x35: {  	s20 =	simm.s32 $0x1E0;
	[sflag:s4] =	ssyncadd.s32 $0xFFFFD800  }
0x36: {  	[tilespmem:s7], [sflag:$0x1] =	stream.indirect.gather [hbm4b:s2+s6], $0x80, s20, s6, $0xb8;
	[tilespmem:$0x5380] =	vst v63  }
0x37: {  	_ =	swait.ge [sflag:s12], $0x2800  }
0x38: {  	[sflag:s12] =	ssyncset.done $0x0  }
0x39: {  	s21 =	sadd.s32 $0x1900, s30;
	[sflag:s12] =	ssyncadd.s32 $0xFFFFD800  }
0x3a: {  	[hbm4b:s21+s3] =	stream.linear.scatter [tilespmem:s8], [sflag:$0x3], $0x2800, $0x38;
	[tilespmem:$0x5380] =	vst v63  }
0x3b: {  	_ =	swait.ge [sflag:s4], $0x2800  }
0x3c: {  	[sflag:s4] =	ssyncset.done $0x0  }
0x3d: {  	s22 =	simm.s32 $0x230;
	[sflag:s4] =	ssyncadd.s32 $0xFFFFD800  }
0x3e: {  	[tilespmem:s8], [sflag:$0x2] =	stream.indirect.gather [hbm4b:s2+s6], $0x80, s22, s6, $0xb8;
	[tilespmem:$0x5380] =	vst v63  }
0x3f: {  	_ =	swait.ge [sflag:s9], $0x2800  }
0x40: {  	[sflag:s9] =	ssyncset.done $0x0  }
0x41: {  	s23 =	sadd.s32 $0x1E00, s30;
	[sflag:s9] =	ssyncadd.s32 $0xFFFFD800  }
0x42: {  	[hbm4b:s23+s3] =	stream.linear.scatter [tilespmem:s7], [sflag:$0x3], $0x2800, $0x38;
	[tilespmem:$0x5380] =	vst v63  }
0x43: {  	_ =	swait.ge [sflag:s4], $0x2800  }
0x44: {  	[sflag:s4] =	ssyncset.done $0x0  }
0x45: {  	s24 =	simm.s32 $0x280;
	[sflag:s4] =	ssyncadd.s32 $0xFFFFD800  }
0x46: {  	[tilespmem:s7], [sflag:$0x1] =	stream.indirect.gather [hbm4b:s2+s6], $0x80, s24, s6, $0xb8;
	[tilespmem:$0x5380] =	vst v63  }
0x47: {  	_ =	swait.ge [sflag:s12], $0x2800  }
0x48: {  	[sflag:s12] =	ssyncset.done $0x0  }
0x49: {  	s25 =	sadd.s32 $0x2300, s30;
	[sflag:s12] =	ssyncadd.s32 $0xFFFFD800  }
0x4a: {  	[hbm4b:s25+s3] =	stream.linear.scatter [tilespmem:s8], [sflag:$0x3], $0x2800, $0x38;
	[tilespmem:$0x5380] =	vst v63  }
0x4b: {  	_ =	swait.ge [sflag:s4], $0x2800  }
0x4c: {  	[sflag:s4] =	ssyncset.done $0x0  }
0x4d: {  	s26 =	simm.s32 $0x2D0;
	[sflag:s4] =	ssyncadd.s32 $0xFFFFD800  }
0x4e: {  	[tilespmem:s8], [sflag:$0x2] =	stream.indirect.gather [hbm4b:s2+s6], $0x80, s26, s6, $0xb8;
	[tilespmem:$0x5380] =	vst v63  }
0x4f: {  	_ =	swait.ge [sflag:s9], $0x2800  }
0x50: {  	[sflag:s9] =	ssyncset.done $0x0  }
0x51: {  	s29 =	ssub.s32 $0x2, s29;
	s28 =	sadd.s32 $0x2800, s30;
	[sflag:s9] =	ssyncadd.s32 $0xFFFFD800  }
0x52: {  	[hbm4b:s28+s3] =	stream.linear.scatter [tilespmem:s7], [sflag:$0x3], $0x2800, $0x38;
	[tilespmem:$0x5380] =	vst v63  }
0x53: {  	s31 =	sshrl.u32 s29, $0x1;
	_ =	swait.ge [sflag:s4], $0x2800  }
0x54: {  	s31 =	ssub.s32 s29, s31;
	[sflag:s4] =	ssyncset.done $0x0  }
0x55: {  	s29 =	sadd.s32 $0x2D00, s30;
	s30 =	smax.u32 s31, $0x1;
	[sflag:s4] =	ssyncadd.s32 $0xFFFFD800  }
0x56: {  	p0 =	sne.s32 s30, $0x1;
	_ =	swait.ge [sflag:s12], $0x2800  }
.Ltmp0:
0x57: {  	[sflag:s12] =	ssyncset.done $0x0;
	(pc) =	sbr.rel @!p0 .LBB2_2-.Ltmp0, $4  }
0x58: {  	[sflag:s12] =	ssyncadd.s32 $0xFFFFD800  }
0x59: {  	[hbm4b:s29+s3] =	stream.linear.scatter [tilespmem:s8], [sflag:$0x3], $0x2800, $0x38;
	[tilespmem:$0x5380] =	vst v63  }
0x5a: {  	_ =	swait.ge [sflag:s4], $0x2800  }
0x5b: {  	s30 =	sadd.s32 $0xFFFFFFFF, s30;
	[sflag:s4] =	ssyncset.done $0x0  }
.LBB2_1:
0x5c: {  	p0 =	sne.s32 s30, $0x1;
	s30 =	sadd.s32 $0xFFFFFFFF, s30;
	[sflag:s4] =	ssyncadd.s32 $0xFFFFD800  }
0x5d: {  	[tilespmem:s3], [sflag:$0x3] =	stream.linear.gather [hbm4b:s5+s3], $0x320, $0x38;
	[tilespmem:$0x5380] =	vst v63  }
0x5e: {  	_ =	swait.ge [sflag:s4], $0x320  }
0x5f: {  	[sflag:s4] =	ssyncset.done $0x0  }
0x60: {  	[sflag:s4] =	ssyncadd.s32 $0xFFFFFCE0  }
0x61: {  	[tilespmem:s7], [sflag:$0x1] =	stream.indirect.gather [hbm4b:s2+s6], $0x80, s3, s6, $0xb8;
	[tilespmem:$0x5380] =	vst v63  }
0x62: {  	_ = 	snop  }
0x63: {  	[tilespmem:s8], [sflag:$0x2] =	stream.indirect.gather [hbm4b:s2+s6], $0x80, s6, s6, $0xb8;
	[tilespmem:$0x5380] =	vst v63  }
0x64: {  	_ =	swait.ge [sflag:s9], $0x2800  }
0x65: {  	[sflag:s9] =	ssyncset.done $0x0  }
0x66: {  	[sflag:s9] =	ssyncadd.s32 $0xFFFFD800  }
0x67: {  	[hbm4b:s10+s3] =	stream.linear.scatter [tilespmem:s7], [sflag:$0x3], $0x2800, $0x38;
	[tilespmem:$0x5380] =	vst v63  }
0x68: {  	_ =	swait.ge [sflag:s4], $0x2800  }
0x69: {  	[sflag:s4] =	ssyncset.done $0x0  }
0x6a: {  	[sflag:s4] =	ssyncadd.s32 $0xFFFFD800  }
0x6b: {  	[tilespmem:s7], [sflag:$0x1] =	stream.indirect.gather [hbm4b:s2+s6], $0x80, s11, s6, $0xb8;
	[tilespmem:$0x5380] =	vst v63  }
0x6c: {  	_ =	swait.ge [sflag:s12], $0x2800  }
0x6d: {  	[sflag:s12] =	ssyncset.done $0x0  }
0x6e: {  	[sflag:s12] =	ssyncadd.s32 $0xFFFFD800  }
0x6f: {  	[hbm4b:s13+s3] =	stream.linear.scatter [tilespmem:s8], [sflag:$0x3], $0x2800, $0x38;
	[tilespmem:$0x5380] =	vst v63  }
0x70: {  	_ =	swait.ge [sflag:s4], $0x2800  }
0x71: {  	[sflag:s4] =	ssyncset.done $0x0  }
0x72: {  	[sflag:s4] =	ssyncadd.s32 $0xFFFFD800  }
0x73: {  	[tilespmem:s8], [sflag:$0x2] =	stream.indirect.gather [hbm4b:s2+s6], $0x80, s14, s6, $0xb8;
	[tilespmem:$0x5380] =	vst v63  }
0x74: {  	_ =	swait.ge [sflag:s9], $0x2800  }
0x75: {  	[sflag:s9] =	ssyncset.done $0x0  }
0x76: {  	[sflag:s9] =	ssyncadd.s32 $0xFFFFD800  }
0x77: {  	[hbm4b:s15+s3] =	stream.linear.scatter [tilespmem:s7], [sflag:$0x3], $0x2800, $0x38;
	[tilespmem:$0x5380] =	vst v63  }
0x78: {  	_ =	swait.ge [sflag:s4], $0x2800  }
0x79: {  	[sflag:s4] =	ssyncset.done $0x0  }
0x7a: {  	[sflag:s4] =	ssyncadd.s32 $0xFFFFD800  }
0x7b: {  	[tilespmem:s7], [sflag:$0x1] =	stream.indirect.gather [hbm4b:s2+s6], $0x80, s16, s6, $0xb8;
	[tilespmem:$0x5380] =	vst v63  }
0x7c: {  	_ =	swait.ge [sflag:s12], $0x2800  }
0x7d: {  	[sflag:s12] =	ssyncset.done $0x0  }
0x7e: {  	[sflag:s12] =	ssyncadd.s32 $0xFFFFD800  }
0x7f: {  	[hbm4b:s17+s3] =	stream.linear.scatter [tilespmem:s8], [sflag:$0x3], $0x2800, $0x38;
	[tilespmem:$0x5380] =	vst v63  }
0x80: {  	_ =	swait.ge [sflag:s4], $0x2800  }
0x81: {  	[sflag:s4] =	ssyncset.done $0x0  }
0x82: {  	[sflag:s4] =	ssyncadd.s32 $0xFFFFD800  }
0x83: {  	[tilespmem:s8], [sflag:$0x2] =	stream.indirect.gather [hbm4b:s2+s6], $0x80, s18, s6, $0xb8;
	[tilespmem:$0x5380] =	vst v63  }
0x84: {  	_ =	swait.ge [sflag:s9], $0x2800  }
0x85: {  	[sflag:s9] =	ssyncset.done $0x0  }
0x86: {  	[sflag:s9] =	ssyncadd.s32 $0xFFFFD800  }
0x87: {  	[hbm4b:s19+s3] =	stream.linear.scatter [tilespmem:s7], [sflag:$0x3], $0x2800, $0x38;
	[tilespmem:$0x5380] =	vst v63  }
0x88: {  	_ =	swait.ge [sflag:s4], $0x2800  }
0x89: {  	[sflag:s4] =	ssyncset.done $0x0  }
0x8a: {  	[sflag:s4] =	ssyncadd.s32 $0xFFFFD800  }
0x8b: {  	[tilespmem:s7], [sflag:$0x1] =	stream.indirect.gather [hbm4b:s2+s6], $0x80, s20, s6, $0xb8;
	[tilespmem:$0x5380] =	vst v63  }
0x8c: {  	_ =	swait.ge [sflag:s12], $0x2800  }
0x8d: {  	[sflag:s12] =	ssyncset.done $0x0  }
0x8e: {  	[sflag:s12] =	ssyncadd.s32 $0xFFFFD800  }
0x8f: {  	[hbm4b:s21+s3] =	stream.linear.scatter [tilespmem:s8], [sflag:$0x3], $0x2800, $0x38;
	[tilespmem:$0x5380] =	vst v63  }
0x90: {  	_ =	swait.ge [sflag:s4], $0x2800  }
0x91: {  	[sflag:s4] =	ssyncset.done $0x0  }
0x92: {  	[sflag:s4] =	ssyncadd.s32 $0xFFFFD800  }
0x93: {  	[tilespmem:s8], [sflag:$0x2] =	stream.indirect.gather [hbm4b:s2+s6], $0x80, s22, s6, $0xb8;
	[tilespmem:$0x5380] =	vst v63  }
0x94: {  	_ =	swait.ge [sflag:s9], $0x2800  }
0x95: {  	[sflag:s9] =	ssyncset.done $0x0  }
0x96: {  	[sflag:s9] =	ssyncadd.s32 $0xFFFFD800  }
0x97: {  	[hbm4b:s23+s3] =	stream.linear.scatter [tilespmem:s7], [sflag:$0x3], $0x2800, $0x38;
	[tilespmem:$0x5380] =	vst v63  }
0x98: {  	_ =	swait.ge [sflag:s4], $0x2800  }
0x99: {  	[sflag:s4] =	ssyncset.done $0x0  }
0x9a: {  	[sflag:s4] =	ssyncadd.s32 $0xFFFFD800  }
0x9b: {  	[tilespmem:s7], [sflag:$0x1] =	stream.indirect.gather [hbm4b:s2+s6], $0x80, s24, s6, $0xb8;
	[tilespmem:$0x5380] =	vst v63  }
0x9c: {  	_ =	swait.ge [sflag:s12], $0x2800  }
0x9d: {  	[sflag:s12] =	ssyncset.done $0x0  }
0x9e: {  	[sflag:s12] =	ssyncadd.s32 $0xFFFFD800  }
0x9f: {  	[hbm4b:s25+s3] =	stream.linear.scatter [tilespmem:s8], [sflag:$0x3], $0x2800, $0x38;
	[tilespmem:$0x5380] =	vst v63  }
0xa0: {  	_ =	swait.ge [sflag:s4], $0x2800  }
0xa1: {  	[sflag:s4] =	ssyncset.done $0x0  }
0xa2: {  	[sflag:s4] =	ssyncadd.s32 $0xFFFFD800  }
0xa3: {  	[tilespmem:s8], [sflag:$0x2] =	stream.indirect.gather [hbm4b:s2+s6], $0x80, s26, s6, $0xb8;
	[tilespmem:$0x5380] =	vst v63  }
0xa4: {  	_ =	swait.ge [sflag:s9], $0x2800  }
0xa5: {  	[sflag:s9] =	ssyncset.done $0x0  }
0xa6: {  	[sflag:s9] =	ssyncadd.s32 $0xFFFFD800  }
0xa7: {  	[hbm4b:s28+s3] =	stream.linear.scatter [tilespmem:s7], [sflag:$0x3], $0x2800, $0x38;
	[tilespmem:$0x5380] =	vst v63  }
0xa8: {  	_ =	swait.ge [sflag:s4], $0x2800  }
0xa9: {  	[sflag:s4] =	ssyncset.done $0x0  }
0xaa: {  	[sflag:s4] =	ssyncadd.s32 $0xFFFFD800  }
0xab: {  	_ =	swait.ge [sflag:s12], $0x2800  }
.Ltmp1:
0xac: {  	[sflag:s12] =	ssyncset.done $0x0;
	(pc) =	sbr.rel @p0 .LBB2_1-.Ltmp1, $4  }
0xad: {  	[sflag:s12] =	ssyncadd.s32 $0xFFFFD800  }
0xae: {  	[hbm4b:s29+s3] =	stream.linear.scatter [tilespmem:s8], [sflag:$0x3], $0x2800, $0x38;
	[tilespmem:$0x5380] =	vst v63  }
0xaf: {  	_ =	swait.ge [sflag:s4], $0x2800  }
0xb0: {  	[sflag:s4] =	ssyncset.done $0x0  }
.LBB2_2:
0xb1: {  	[sflag:s4] =	ssyncadd.s32 $0xFFFFD800  }
0xb2: {  	_ =	sfence.sel $0x180000  }
0xb3: {  	[bflag:$0x0] =	sbarrier.arrive $0xFFFF  }
0xb4: {  	p0 =	sne.s32 s0, $0x0;
	_ =	strace $0x9000004A  }
0xb5: {  	s0 =	sadd.s32 @!p0 $0x100000, s1;
	[bflag:$0x2] =	sbarrier.arrive $0xFFFF  }
0xb6: {  	[sflag:s0] =	ssyncadd.tile.s32 @!p0 $0x1;
	_ =	shalt  }
.Lfunc_end2:
_tile_overlayer_lowered:
.L_overlay_start_2:
0xb7: {  	(tag) =	ssettag $0x2  }
0xb8: {  	s0 =	rddreg [dreg:$0x0];
	s2 =	stileid.u32  }
0xb9: {  	s1 =	rddreg [dreg:$0x1];
	p0 =	sne.s32 s2, $0x0  }
0xba: {  	s3 =	rddreg [dreg:$0x2];
	[bflag:$0x3] =	sbarrier.arrive $0xFFFF;
	s2 =	simm.s32 @!p0 $0x1C03  }
0xbb: {  	[timem:s3], [sflag:s2] =	dma.local @!p0 [hbm:s0], s1  }
0xbc: {  	s0 =	simm.s32 @!p0 $0x3  }
0xbd: {  	_ =	swait.ge @!p0 [sflag:s0], s1  }
0xbe: {  	s1 =	ssub.s32 @!p0 $0x0, s1;
	[sflag:s0] =	ssyncset.done @!p0 $0x0  }
0xbf: {  	[sflag:s0] =	ssyncadd.s32 @!p0 s1  }
0xc0: {  	[bflag:$0x3] =	sbarrier.arrive $0xFFFF  }
0xc1: {  	_ =	shalt  }

</sc_bundles>
